<compile_context>
chip_gen: v7x
topology: tpu7x:2x2x1
jax: 0.10.2.dev20260603
libtpu: 0.0.44.dev20260713+nightly
codegen_flags: <defaults>
</compile_context>

<pallas_src>
import functools

import jax
import jax.numpy as jnp
from jax import lax
from jax.experimental import pallas as pl
from jax.experimental.pallas import tpu as pltpu
from jax.experimental.pallas import tpu_sc as plsc

N = 10000
E = 320000
D = 128

NC = 2
NS = 16
NW = NC * NS
C = 128
K = 80
NCH_REAL = E // C
T = 40
CH_TOT = NW * K
E_FLAT = CH_TOT * C
NPAD = 10240
NDUMP = NPAD - N
ZPT = NPAD // NS


@functools.cache
def _sc_kernels():
    mesh = plsc.VectorSubcoreMesh(
        core_axis_name="c", subcore_axis_name="s",
        num_cores=NC, num_subcores=NS)

    @functools.partial(
        pl.kernel,
        out_type=jax.ShapeDtypeStruct((NC, NPAD), jnp.float32),
        mesh=mesh,
        scratch_types=[
            pltpu.VMEM_SHARED((NPAD,), jnp.float32),
            pltpu.VMEM((K, C), jnp.int32),
            pltpu.VMEM((C,), jnp.float32),
            pltpu.VMEM((ZPT,), jnp.float32),
        ],
    )
    def hist(dstr_hbm, out_hbm, acc, idx_t, ones_t, zb):
        c = lax.axis_index("c")
        s = lax.axis_index("s")
        wid = c * NS + s
        myk = jnp.where(wid == NW - 1, K - (CH_TOT - NCH_REAL), K)

        def z16(i, _):
            zb[pl.ds(i * 16, 16)] = jnp.zeros((16,), jnp.float32)
            return 0
        lax.fori_loop(0, ZPT // 16, z16, 0)

        def o16(i, _):
            ones_t[pl.ds(i * 16, 16)] = jnp.ones((16,), jnp.float32)
            return 0
        lax.fori_loop(0, C // 16, o16, 0)

        pltpu.sync_copy(zb, acc.at[pl.ds(s * ZPT, ZPT)])
        pltpu.sync_copy(dstr_hbm.at[pl.ds(wid * K, K)], idx_t)
        plsc.subcore_barrier()

        def chunk(j, _):
            pltpu.sync_copy(ones_t, acc.at[idx_t.at[j]], add=True)
            return 0
        lax.fori_loop(0, myk, chunk, 0)

        plsc.subcore_barrier()
        pltpu.sync_copy(acc.at[pl.ds(s * ZPT, ZPT)],
                        out_hbm.at[c, pl.ds(s * ZPT, ZPT)])

    @functools.partial(
        pl.kernel,
        out_type=jax.ShapeDtypeStruct((NC, NPAD, D), jnp.float32),
        mesh=mesh,
        scratch_types=[
            pltpu.VMEM_SHARED((NPAD, D), jnp.float32),
            pltpu.VMEM((T, C), jnp.int32),
            pltpu.VMEM((T, C), jnp.int32),
            pltpu.VMEM((C, D), jnp.float32),
            pltpu.VMEM((C, D), jnp.float32),
            pltpu.SemaphoreType.DMA,
            pltpu.SemaphoreType.DMA,
        ],
    )
    def agg(p_hbm, srcr_hbm, dstr_hbm, out_hbm,
            acc, src_t, dst_t, rows0, rows1, semg0, semg1):
        c = lax.axis_index("c")
        s = lax.axis_index("s")
        wid = c * NS + s

        def z16(t, _):
            rows0[t // (D // 16), pl.ds((t % (D // 16)) * 16, 16)] = (
                jnp.zeros((16,), jnp.float32))
            return 0
        lax.fori_loop(0, C * (D // 16), z16, 0)

        for r in range(ZPT // C):
            pltpu.sync_copy(rows0, acc.at[pl.ds(s * ZPT + r * C, C)])
        plsc.subcore_barrier()

        for blk in range(K // T):
            base = wid * K + blk * T
            pltpu.sync_copy(srcr_hbm.at[pl.ds(base, T)], src_t)
            pltpu.sync_copy(dstr_hbm.at[pl.ds(base, T)], dst_t)

            pltpu.async_copy(p_hbm.at[src_t.at[0]], rows0, semg0)

            def pair(i, _):
                j0 = 2 * i
                pltpu.make_async_copy(
                    p_hbm.at[src_t.at[j0]], rows0, semg0).wait()
                pltpu.async_copy(p_hbm.at[src_t.at[j0 + 1]], rows1, semg1)
                pltpu.sync_copy(rows0, acc.at[dst_t.at[j0]], add=True)

                @pl.when(j0 + 2 < T)
                def _():
                    pltpu.async_copy(p_hbm.at[src_t.at[j0 + 2]], rows0, semg0)

                pltpu.make_async_copy(
                    p_hbm.at[src_t.at[j0 + 1]], rows1, semg1).wait()
                pltpu.sync_copy(rows1, acc.at[dst_t.at[j0 + 1]], add=True)
                return 0
            lax.fori_loop(0, T // 2, pair, 0)

        plsc.subcore_barrier()
        pltpu.sync_copy(acc.at[pl.ds(s * ZPT, ZPT)],
                        out_hbm.at[c, pl.ds(s * ZPT, ZPT)])

    return hist, agg


def _dinv_body(degp_ref, out_ref):
    d = degp_ref[0:1, :] + degp_ref[1:2, :]
    col = lax.broadcasted_iota(jnp.int32, (1, NPAD), 1)
    out_ref[...] = jnp.where(
        col < N, lax.rsqrt(jnp.maximum(d, 1.0)), 0.0)


_dinv_tc = pl.pallas_call(
    _dinv_body,
    out_shape=jax.ShapeDtypeStruct((1, NPAD), jnp.float32),
)

_RBP = 512
_GP = NPAD // _RBP
_RB = 400
_G = N // _RB


def _mm1_body(x_ref, w_ref, dinv_ref, out_ref):
    out_ref[...] = dinv_ref[...] * jnp.dot(
        x_ref[...], w_ref[...], preferred_element_type=jnp.float32)


_mm1 = pl.pallas_call(
    _mm1_body,
    grid=(_GP,),
    in_specs=[
        pl.BlockSpec((_RBP, D), lambda i: (i, 0)),
        pl.BlockSpec((D, D), lambda i: (0, 0)),
        pl.BlockSpec((_RBP, 1), lambda i: (i, 0)),
    ],
    out_specs=pl.BlockSpec((_RBP, D), lambda i: (i, 0)),
    out_shape=jax.ShapeDtypeStruct((NPAD, D), jnp.float32),
)


def _mid_body(aggp_ref, dinv_ref, b1_ref, w2_ref, out_ref):
    t = (aggp_ref[0] + aggp_ref[1]) * dinv_ref[...] + b1_ref[...]
    h = jnp.maximum(t, 0.0)
    out_ref[...] = dinv_ref[...] * jnp.dot(
        h, w2_ref[...], preferred_element_type=jnp.float32)


_mid = pl.pallas_call(
    _mid_body,
    grid=(_GP,),
    in_specs=[
        pl.BlockSpec((NC, _RBP, D), lambda i: (0, i, 0)),
        pl.BlockSpec((_RBP, 1), lambda i: (i, 0)),
        pl.BlockSpec((1, D), lambda i: (0, 0)),
        pl.BlockSpec((D, D), lambda i: (0, 0)),
    ],
    out_specs=pl.BlockSpec((_RBP, D), lambda i: (i, 0)),
    out_shape=jax.ShapeDtypeStruct((NPAD, D), jnp.float32),
)


def _out_body(aggp_ref, dinv_ref, b2_ref, out_ref):
    out_ref[...] = (aggp_ref[0] + aggp_ref[1]) * dinv_ref[...] + b2_ref[...]


_outk = pl.pallas_call(
    _out_body,
    grid=(_G,),
    in_specs=[
        pl.BlockSpec((NC, _RB, D), lambda i: (0, i, 0)),
        pl.BlockSpec((_RB, 1), lambda i: (i, 0)),
        pl.BlockSpec((1, D), lambda i: (0, 0)),
    ],
    out_specs=pl.BlockSpec((_RB, D), lambda i: (i, 0)),
    out_shape=jax.ShapeDtypeStruct((N, D), jnp.float32),
)


def kernel(x, edge_index, W1, b1, W2, b2):
    hist, agg = _sc_kernels()
    src = edge_index[0].astype(jnp.int32)
    dst = edge_index[1].astype(jnp.int32)
    pad = E_FLAT - E
    ar = jnp.arange(pad, dtype=jnp.int32)
    src_f = jnp.concatenate([src, N + (ar % NDUMP)]).reshape(CH_TOT, C)
    dst_a = jnp.concatenate([dst, (ar * 9973) % N]).reshape(CH_TOT, C)
    x_pad = jnp.pad(x, ((0, NPAD - N), (0, 0)))

    degp = hist(dst_a)
    dinv = _dinv_tc(degp).reshape(NPAD, 1)

    p1 = _mm1(x_pad, W1, dinv)
    aggp1 = agg(p1, src_f, dst_a)
    p2 = _mid(aggp1, dinv, b1.reshape(1, D), W2)
    aggp2 = agg(p2, src_f, dst_a)
    return _outk(aggp2, dinv[:N], b2.reshape(1, D))

# --- scband reference (transcript-rebuilt; emitter-appended) ---
"""Pipeline reference for scband-s2-gae-89232240541991 (READ-ONLY COPY).

The authoritative reference and input builder live on the scoring server;
editing this copy changes nothing except your own understanding.
"""

import jax, jax.numpy as jnp
import numpy as np

N_NODES = 10000
N_EDGES = 320000
D_FEAT = 128
D_HID = 128
D_OUT = 128


def setup_inputs(seed: int = 0) -> dict:
    key = jax.random.key(seed)
    k1, k2, k3, k4 = jax.random.split(key, 4)
    x = jax.random.normal(k1, (N_NODES, D_FEAT), dtype=jnp.float32)
    edge_index = jax.random.randint(k2, (2, N_EDGES), 0, N_NODES, dtype=jnp.int64)
    W1 = jax.random.normal(k3, (D_FEAT, D_HID), dtype=jnp.float32) * (1.0 / np.sqrt(D_FEAT))
    b1 = jnp.zeros((D_HID,), dtype=jnp.float32)
    W2 = jax.random.normal(k4, (D_HID, D_OUT), dtype=jnp.float32) * (1.0 / np.sqrt(D_HID))
    b2 = jnp.zeros((D_OUT,), dtype=jnp.float32)
    return {"x": x, "edge_index": edge_index, "W1": W1, "b1": b1, "W2": W2, "b2": b2}


def _gcn_layer(h, src, dst, coef, W, b, n_nodes):
    # message = normalized source features; aggregate via scatter-add to dst
    msg = h[src] * coef[:, None]
    agg = jnp.zeros((n_nodes, h.shape[1]), dtype=h.dtype).at[dst].add(msg)
    return agg @ W + b


def reference(x, edge_index, W1, b1, W2, b2):
    # S2GAE.forward(x, edge_index) == self.encoder(x, edge_index)
    # encoder: 2-layer GCN with symmetric degree normalization
    n = x.shape[0]
    src = edge_index[0]
    dst = edge_index[1]
    deg = jnp.zeros((n,), dtype=jnp.float32).at[dst].add(1.0)
    deg = jnp.maximum(deg, 1.0)
    dinv = jax.lax.rsqrt(deg)
    coef = dinv[src] * dinv[dst]
    h = _gcn_layer(x, src, dst, coef, W1, b1, n)
    h = jax.nn.relu(h)
    z = _gcn_layer(h, src, dst, coef, W2, b2, n)
    return z

if __name__ == "__main__":
    import jax
    _d = setup_inputs()
    print(jax.jit(kernel)(*tuple(_d.values())))

</pallas_src>

<mosaic_0001>
#map = affine_map<(d0, d1) -> (0, 0)>
module attributes {stable_mosaic.version = 14 : i64} {
  func.func @hist(%arg0: i32, %arg1: i32, %arg2: memref<2560x128xi32, #tpu.memory_space<hbm>>, %arg3: memref<2x10240xf32, #tpu.memory_space<hbm>>, %arg4: memref<10240xf32, #tpu.memory_space<vmem_shared>>, %arg5: memref<80x128xi32, #tpu.memory_space<vmem>>, %arg6: memref<128xf32, #tpu.memory_space<vmem>>, %arg7: memref<640xf32, #tpu.memory_space<vmem>>) attributes {dimension_semantics = [#tpu.dimension_semantics<core_parallel>, #tpu.dimension_semantics<subcore_parallel>], iteration_bounds = array<i64: 2, 16>, scalar_prefetch = 0 : i64, scratch_operands = 4 : i64, tpu.core_type = #tpu.core_type<sc_vector_subcore>, window_params = [{transform_indices = #map}, {transform_indices = #map}]} {
    %mul3A = arith.constant 16 : i32
    %mul3A_0 = arith.muli %arg0, %mul3A : i32
    %add3A = arith.addi %mul3A_0, %arg1 : i32
    %eq3A = arith.constant 31 : i32
    %eq3A_1 = arith.cmpi eq, %add3A, %eq3A : i32
    %jit3A = arith.constant 20 : i32
    %jit3A_2 = arith.constant 80 : i32
    %select_n3A = arith.select %eq3A_1, %jit3A, %jit3A_2 : i32
    %scan3A = arith.constant 0 : i32
    %scan3A_3 = arith.constant 0 : i32
    %scan3A_4 = arith.constant 40 : i32
    %scan3A_5 = arith.addi %scan3A_3, %scan3A_4 : i32
    %scan3A_6 = arith.constant 1 : i32
    %scan3A_7 = scf.for %scan3A_36 = %scan3A_3 to %scan3A_5 step %scan3A_6 iter_args(%scan3A_37 = %scan3A) -> (i32)  : i32 {
      %broadcast_in_dim3A = arith.constant 0.000000e+00 : f32
      %broadcast_in_dim3A_38 = vector.broadcast %broadcast_in_dim3A : f32 to vector<16xf32>
      %mul3A_39 = arith.constant 16 : i32
      %mul3A_40 = arith.muli %scan3A_36, %mul3A_39 : i32
      %swap3A = arith.index_cast %mul3A_40 : i32 to index
      %swap3A_41 = tpu.vector_load %arg7[%swap3A] {strides = array<i32>} : memref<640xf32, #tpu.memory_space<vmem>>, vector<16xf32>,
      %swap3A_42 = vector.shape_cast %swap3A_41 : vector<16xf32> to vector<16xf32>
      %swap3A_43 = vector.shape_cast %broadcast_in_dim3A_38 : vector<16xf32> to vector<16xf32>
      tpu.vector_store %arg7[%swap3A], %swap3A_43 {strides = array<i32>} : memref<640xf32, #tpu.memory_space<vmem>>, vector<16xf32>,
      %scan3A_44 = arith.constant 0 : i32
      scf.yield %scan3A_44 : i32
    }
    %scan3A_8 = arith.constant 40 : i32
    %scan3A_9 = arith.constant 0 : i32
    %scan3A_10 = arith.constant 0 : i32
    %scan3A_11 = arith.constant 8 : i32
    %scan3A_12 = arith.addi %scan3A_10, %scan3A_11 : i32
    %scan3A_13 = arith.constant 1 : i32
    %scan3A_14 = scf.for %scan3A_36 = %scan3A_10 to %scan3A_12 step %scan3A_13 iter_args(%scan3A_37 = %scan3A_9) -> (i32)  : i32 {
      %broadcast_in_dim3A = arith.constant 1.000000e+00 : f32
      %broadcast_in_dim3A_38 = vector.broadcast %broadcast_in_dim3A : f32 to vector<16xf32>
      %mul3A_39 = arith.constant 16 : i32
      %mul3A_40 = arith.muli %scan3A_36, %mul3A_39 : i32
      %swap3A = arith.index_cast %mul3A_40 : i32 to index
      %swap3A_41 = tpu.vector_load %arg6[%swap3A] {strides = array<i32>} : memref<128xf32, #tpu.memory_space<vmem>>, vector<16xf32>,
      %swap3A_42 = vector.shape_cast %swap3A_41 : vector<16xf32> to vector<16xf32>
      %swap3A_43 = vector.shape_cast %broadcast_in_dim3A_38 : vector<16xf32> to vector<16xf32>
      tpu.vector_store %arg6[%swap3A], %swap3A_43 {strides = array<i32>} : memref<128xf32, #tpu.memory_space<vmem>>, vector<16xf32>,
      %scan3A_44 = arith.constant 0 : i32
      scf.yield %scan3A_44 : i32
    }
    %scan3A_15 = arith.constant 8 : i32
    %mul3A_16 = arith.constant 640 : i32
    %mul3A_17 = arith.muli %arg1, %mul3A_16 : i32
    "tpu.region"() ({
      %run_scoped3A = tpu.sem_alloc : memref<!tpu.dma_semaphore, #tpu.memory_space<semaphore_mem>>
      %dma_start3A = tpu.memref_slice %arg4[%mul3A_17] : memref<10240xf32, #tpu.memory_space<vmem_shared>> -> memref<640xf32, #tpu.memory_space<vmem_shared>>
      %dma_start3A_36 = tpu.memref_slice %arg4[%mul3A_17] : memref<10240xf32, #tpu.memory_space<vmem_shared>> -> memref<640xf32, #tpu.memory_space<vmem_shared>>
      tpu.enqueue_dma source(%arg7 : memref<640xf32, #tpu.memory_space<vmem>>) target(%dma_start3A_36 : memref<640xf32, #tpu.memory_space<vmem_shared>>) target_semaphore(%run_scoped3A : memref<!tpu.dma_semaphore, #tpu.memory_space<semaphore_mem>>)
      %dma_wait3A = tpu.memref_slice %arg4[%mul3A_17] : memref<10240xf32, #tpu.memory_space<vmem_shared>> -> memref<640xf32, #tpu.memory_space<vmem_shared>>
      %dma_wait3A_37 = tpu.memref_slice %arg4[%mul3A_17] : memref<10240xf32, #tpu.memory_space<vmem_shared>> -> memref<640xf32, #tpu.memory_space<vmem_shared>>
      tpu.wait_dma2 semaphore(%run_scoped3A : memref<!tpu.dma_semaphore, #tpu.memory_space<semaphore_mem>>) src(%arg7 : memref<640xf32, #tpu.memory_space<vmem>>) dst(%dma_wait3A_37 : memref<640xf32, #tpu.memory_space<vmem_shared>>)
      tpu.yield
    }) : () -> ()
    %mul3A_18 = arith.constant 80 : i32
    %mul3A_19 = arith.muli %add3A, %mul3A_18 : i32
    "tpu.region"() ({
      %run_scoped3A = tpu.sem_alloc : memref<!tpu.dma_semaphore, #tpu.memory_space<semaphore_mem>>
      %dma_start3A = arith.constant 0 : i32
      %dma_start3A_36 = tpu.memref_slice %arg2[%mul3A_19, %dma_start3A] : memref<2560x128xi32, #tpu.memory_space<hbm>> -> memref<80x128xi32, #tpu.memory_space<hbm>>
      %dma_start3A_37 = arith.constant 0 : i32
      %dma_start3A_38 = tpu.memref_slice %arg2[%mul3A_19, %dma_start3A_37] : memref<2560x128xi32, #tpu.memory_space<hbm>> -> memref<80x128xi32, #tpu.memory_space<hbm>>
      tpu.enqueue_dma source(%dma_start3A_38 : memref<80x128xi32, #tpu.memory_space<hbm>>) target(%arg5 : memref<80x128xi32, #tpu.memory_space<vmem>>) target_semaphore(%run_scoped3A : memref<!tpu.dma_semaphore, #tpu.memory_space<semaphore_mem>>)
      %dma_wait3A = arith.constant 0 : i32
      %dma_wait3A_39 = tpu.memref_slice %arg2[%mul3A_19, %dma_wait3A] : memref<2560x128xi32, #tpu.memory_space<hbm>> -> memref<80x128xi32, #tpu.memory_space<hbm>>
      %dma_wait3A_40 = arith.constant 0 : i32
      %dma_wait3A_41 = tpu.memref_slice %arg2[%mul3A_19, %dma_wait3A_40] : memref<2560x128xi32, #tpu.memory_space<hbm>> -> memref<80x128xi32, #tpu.memory_space<hbm>>
      tpu.wait_dma2 semaphore(%run_scoped3A : memref<!tpu.dma_semaphore, #tpu.memory_space<semaphore_mem>>) src(%dma_wait3A_41 : memref<80x128xi32, #tpu.memory_space<hbm>>) dst(%arg5 : memref<80x128xi32, #tpu.memory_space<vmem>>)
      tpu.yield
    }) : () -> ()
    %barrier3A = arith.constant 0 : index
    tpu.barrier barrier_id(%barrier3A)
    %while3A = arith.constant 0 : i32
    %while3A_20 = arith.constant 0 : i32
    %while3A_21 = arith.subi %select_n3A, %while3A : i32
    %while3A_22 = arith.addi %while3A, %while3A_21 : i32
    %while3A_23 = arith.constant 1 : i32
    %while3A_24 = arith.divsi %while3A_21, %while3A_23 : i32
    %while3A_25 = arith.muli %while3A_24, %while3A_23 : i32
    %while3A_26 = arith.addi %while3A, %while3A_25 : i32
    %while3A_27 = arith.constant 1 : i32
    %while3A_28 = scf.for %while3A_36 = %while3A to %while3A_26 step %while3A_27 iter_args(%while3A_37 = %while3A_20) -> (i32)  : i32 {
      "tpu.region"() ({
        %run_scoped3A = tpu.sem_alloc : memref<!tpu.dma_semaphore, #tpu.memory_space<semaphore_mem>>
        %dma_start3A = arith.constant 0 : i32
        %dma_start3A_39 = tpu.memref_slice %arg5[%while3A_36, %dma_start3A] : memref<80x128xi32, #tpu.memory_space<vmem>> -> memref<1x128xi32, #tpu.memory_space<vmem>>
        %dma_start3A_40 = tpu.memref_squeeze %dma_start3A_39 : memref<1x128xi32, #tpu.memory_space<vmem>> -> memref<128xi32, #tpu.memory_space<vmem>>
        %dma_start3A_41 = arith.constant 0 : i32
        %dma_start3A_42 = tpu.memref_slice %arg4[%dma_start3A_41] : memref<10240xf32, #tpu.memory_space<vmem_shared>> -> memref<10240xf32, #tpu.memory_space<vmem_shared>>
        tpu.enqueue_indirect_dma source(%arg6 : memref<128xf32, #tpu.memory_space<vmem>>) target(%dma_start3A_42 : memref<10240xf32, #tpu.memory_space<vmem_shared>>) offsets(%dma_start3A_40 : memref<128xi32, #tpu.memory_space<vmem>>) semaphore(%run_scoped3A : memref<!tpu.dma_semaphore, #tpu.memory_space<semaphore_mem>>) {add = true}
        %dma_wait3A = arith.constant 0 : i32
        %dma_wait3A_43 = tpu.memref_slice %arg5[%while3A_36, %dma_wait3A] : memref<80x128xi32, #tpu.memory_space<vmem>> -> memref<1x128xi32, #tpu.memory_space<vmem>>
        %dma_wait3A_44 = tpu.memref_squeeze %dma_wait3A_43 : memref<1x128xi32, #tpu.memory_space<vmem>> -> memref<128xi32, #tpu.memory_space<vmem>>
        %dma_wait3A_45 = arith.constant 0 : i32
        %dma_wait3A_46 = tpu.memref_slice %arg4[%dma_wait3A_45] : memref<10240xf32, #tpu.memory_space<vmem_shared>> -> memref<10240xf32, #tpu.memory_space<vmem_shared>>
        tpu.wait_indirect_dma semaphore(%run_scoped3A : memref<!tpu.dma_semaphore, #tpu.memory_space<semaphore_mem>>) src(%arg6 : memref<128xf32, #tpu.memory_space<vmem>>) dst(%dma_wait3A_46 : memref<10240xf32, #tpu.memory_space<vmem_shared>>)
        tpu.yield
      }) : () -> ()
      %while3A_38 = arith.constant 0 : i32
      scf.yield %while3A_38 : i32
    }
    %while3A_29 = arith.constant 1 : i32
    %while3A_30 = scf.for %while3A_36 = %while3A_26 to %while3A_22 step %while3A_29 iter_args(%while3A_37 = %while3A_28) -> (i32)  : i32 {
      "tpu.region"() ({
        %run_scoped3A = tpu.sem_alloc : memref<!tpu.dma_semaphore, #tpu.memory_space<semaphore_mem>>
        %dma_start3A = arith.constant 0 : i32
        %dma_start3A_39 = tpu.memref_slice %arg5[%while3A_36, %dma_start3A] : memref<80x128xi32, #tpu.memory_space<vmem>> -> memref<1x128xi32, #tpu.memory_space<vmem>>
        %dma_start3A_40 = tpu.memref_squeeze %dma_start3A_39 : memref<1x128xi32, #tpu.memory_space<vmem>> -> memref<128xi32, #tpu.memory_space<vmem>>
        %dma_start3A_41 = arith.constant 0 : i32
        %dma_start3A_42 = tpu.memref_slice %arg4[%dma_start3A_41] : memref<10240xf32, #tpu.memory_space<vmem_shared>> -> memref<10240xf32, #tpu.memory_space<vmem_shared>>
        tpu.enqueue_indirect_dma source(%arg6 : memref<128xf32, #tpu.memory_space<vmem>>) target(%dma_start3A_42 : memref<10240xf32, #tpu.memory_space<vmem_shared>>) offsets(%dma_start3A_40 : memref<128xi32, #tpu.memory_space<vmem>>) semaphore(%run_scoped3A : memref<!tpu.dma_semaphore, #tpu.memory_space<semaphore_mem>>) {add = true}
        %dma_wait3A = arith.constant 0 : i32
        %dma_wait3A_43 = tpu.memref_slice %arg5[%while3A_36, %dma_wait3A] : memref<80x128xi32, #tpu.memory_space<vmem>> -> memref<1x128xi32, #tpu.memory_space<vmem>>
        %dma_wait3A_44 = tpu.memref_squeeze %dma_wait3A_43 : memref<1x128xi32, #tpu.memory_space<vmem>> -> memref<128xi32, #tpu.memory_space<vmem>>
        %dma_wait3A_45 = arith.constant 0 : i32
        %dma_wait3A_46 = tpu.memref_slice %arg4[%dma_wait3A_45] : memref<10240xf32, #tpu.memory_space<vmem_shared>> -> memref<10240xf32, #tpu.memory_space<vmem_shared>>
        tpu.wait_indirect_dma semaphore(%run_scoped3A : memref<!tpu.dma_semaphore, #tpu.memory_space<semaphore_mem>>) src(%arg6 : memref<128xf32, #tpu.memory_space<vmem>>) dst(%dma_wait3A_46 : memref<10240xf32, #tpu.memory_space<vmem_shared>>)
        tpu.yield
      }) : () -> ()
      %while3A_38 = arith.constant 0 : i32
      scf.yield %while3A_38 : i32
    }
    %barrier3A_31 = arith.constant 0 : index
    tpu.barrier barrier_id(%barrier3A_31)
    %mul3A_32 = arith.constant 640 : i32
    %mul3A_33 = arith.muli %arg1, %mul3A_32 : i32
    %mul3A_34 = arith.constant 640 : i32
    %mul3A_35 = arith.muli %arg1, %mul3A_34 : i32
    "tpu.region"() ({
      %run_scoped3A = tpu.sem_alloc : memref<!tpu.dma_semaphore, #tpu.memory_space<semaphore_mem>>
      %dma_start3A = tpu.memref_slice %arg3[%arg0, %mul3A_35] : memref<2x10240xf32, #tpu.memory_space<hbm>> -> memref<1x640xf32, #tpu.memory_space<hbm>>
      %dma_start3A_36 = tpu.memref_squeeze %dma_start3A : memref<1x640xf32, #tpu.memory_space<hbm>> -> memref<640xf32, #tpu.memory_space<hbm>>
      %dma_start3A_37 = tpu.memref_slice %arg4[%mul3A_33] : memref<10240xf32, #tpu.memory_space<vmem_shared>> -> memref<640xf32, #tpu.memory_space<vmem_shared>>
      tpu.enqueue_dma source(%dma_start3A_37 : memref<640xf32, #tpu.memory_space<vmem_shared>>) target(%dma_start3A_36 : memref<640xf32, #tpu.memory_space<hbm>>) target_semaphore(%run_scoped3A : memref<!tpu.dma_semaphore, #tpu.memory_space<semaphore_mem>>)
      %dma_wait3A = tpu.memref_slice %arg3[%arg0, %mul3A_35] : memref<2x10240xf32, #tpu.memory_space<hbm>> -> memref<1x640xf32, #tpu.memory_space<hbm>>
      %dma_wait3A_38 = tpu.memref_squeeze %dma_wait3A : memref<1x640xf32, #tpu.memory_space<hbm>> -> memref<640xf32, #tpu.memory_space<hbm>>
      %dma_wait3A_39 = tpu.memref_slice %arg4[%mul3A_33] : memref<10240xf32, #tpu.memory_space<vmem_shared>> -> memref<640xf32, #tpu.memory_space<vmem_shared>>
      tpu.wait_dma2 semaphore(%run_scoped3A : memref<!tpu.dma_semaphore, #tpu.memory_space<semaphore_mem>>) src(%dma_wait3A_39 : memref<640xf32, #tpu.memory_space<vmem_shared>>) dst(%dma_wait3A_38 : memref<640xf32, #tpu.memory_space<hbm>>)
      tpu.yield
    }) : () -> ()
    return
  }
}

#map = affine_map<(d0, d1) -> (0, 0)>
#map1 = affine_map<(d0, d1) -> (0, 0, 0)>
module attributes {stable_mosaic.version = 14 : i64} {
  func.func @agg(%arg0: i32, %arg1: i32, %arg2: memref<10240x128xf32, #tpu.memory_space<hbm>>, %arg3: memref<2560x128xi32, #tpu.memory_space<hbm>>, %arg4: memref<2560x128xi32, #tpu.memory_space<hbm>>, %arg5: memref<2x10240x128xf32, #tpu.memory_space<hbm>>, %arg6: memref<10240x128xf32, #tpu.memory_space<vmem_shared>>, %arg7: memref<40x128xi32, #tpu.memory_space<vmem>>, %arg8: memref<40x128xi32, #tpu.memory_space<vmem>>, %arg9: memref<128x128xf32, #tpu.memory_space<vmem>>, %arg10: memref<128x128xf32, #tpu.memory_space<vmem>>, %arg11: memref<!tpu.dma_semaphore, #tpu.memory_space<semaphore_mem>>, %arg12: memref<!tpu.dma_semaphore, #tpu.memory_space<semaphore_mem>>) attributes {dimension_semantics = [#tpu.dimension_semantics<core_parallel>, #tpu.dimension_semantics<subcore_parallel>], iteration_bounds = array<i64: 2, 16>, scalar_prefetch = 0 : i64, scratch_operands = 7 : i64, tpu.core_type = #tpu.core_type<sc_vector_subcore>, window_params = [{transform_indices = #map}, {transform_indices = #map}, {transform_indices = #map}, {transform_indices = #map1}]} {
    %mul3A = arith.constant 16 : i32
    %mul3A_0 = arith.muli %arg0, %mul3A : i32
    %add3A = arith.addi %mul3A_0, %arg1 : i32
    %scan3A = arith.constant 0 : i32
    %scan3A_1 = arith.constant 0 : i32
    %scan3A_2 = arith.constant 1024 : i32
    %scan3A_3 = arith.addi %scan3A_1, %scan3A_2 : i32
    %scan3A_4 = arith.constant 1 : i32
    %scan3A_5 = scf.for %scan3A_67 = %scan3A_1 to %scan3A_3 step %scan3A_4 iter_args(%scan3A_68 = %scan3A) -> (i32)  : i32 {
      %broadcast_in_dim3A = arith.constant 0.000000e+00 : f32
      %broadcast_in_dim3A_69 = vector.broadcast %broadcast_in_dim3A : f32 to vector<16xf32>
      %jit3A = arith.constant 8 : i32
      %div3A = arith.divsi %scan3A_67, %jit3A : i32
      %sign3A = arith.constant 0 : i32
      %sign3A_70 = arith.cmpi sgt, %scan3A_67, %sign3A : i32
      %sign3A_71 = arith.extui %sign3A_70 : i1 to i32
      %sign3A_72 = arith.constant 0 : i32
      %sign3A_73 = arith.cmpi slt, %scan3A_67, %sign3A_72 : i32
      %sign3A_74 = arith.extui %sign3A_73 : i1 to i32
      %sign3A_75 = arith.subi %sign3A_71, %sign3A_74 : i32
      %sign3A_76 = arith.constant 0 : i32
      %sign3A_77 = arith.cmpi sgt, %jit3A, %sign3A_76 : i32
      %sign3A_78 = arith.extui %sign3A_77 : i1 to i32
      %sign3A_79 = arith.constant 0 : i32
      %sign3A_80 = arith.cmpi slt, %jit3A, %sign3A_79 : i32
      %sign3A_81 = arith.extui %sign3A_80 : i1 to i32
      %sign3A_82 = arith.subi %sign3A_78, %sign3A_81 : i32
      %ne3A = arith.cmpi ne, %sign3A_75, %sign3A_82 : i32
      %rem3A = arith.remsi %scan3A_67, %jit3A : i32
      %ne3A_83 = arith.constant 0 : i32
      %ne3A_84 = arith.cmpi ne, %rem3A, %ne3A_83 : i32
      %and3A = arith.andi %ne3A, %ne3A_84 : i1
      %sub3A = arith.constant 1 : i32
      %sub3A_85 = arith.subi %div3A, %sub3A : i32
      %select_n3A = arith.select %and3A, %sub3A_85, %div3A : i32
      %jit3A_86 = arith.constant 8 : i32
      %eq3A = arith.constant 0 : i32
      %eq3A_87 = arith.cmpi eq, %jit3A_86, %eq3A : i32
      %jit3A_88 = arith.constant 1 : i32
      %select_n3A_89 = arith.select %eq3A_87, %jit3A_88, %jit3A_86 : i32
      %rem3A_90 = arith.remsi %scan3A_67, %select_n3A_89 : i32
      %ne3A_91 = arith.constant 0 : i32
      %ne3A_92 = arith.cmpi ne, %rem3A_90, %ne3A_91 : i32
      %lt3A = arith.constant 0 : i32
      %lt3A_93 = arith.cmpi slt, %rem3A_90, %lt3A : i32
      %lt3A_94 = arith.constant 0 : i32
      %lt3A_95 = arith.cmpi slt, %select_n3A_89, %lt3A_94 : i32
      %ne3A_96 = arith.xori %lt3A_93, %lt3A_95 : i1
      %and3A_97 = arith.andi %ne3A_96, %ne3A_92 : i1
      %add3A_98 = arith.addi %rem3A_90, %select_n3A_89 : i32
      %select_n3A_99 = arith.select %and3A_97, %add3A_98, %rem3A_90 : i32
      %mul3A_100 = arith.constant 16 : i32
      %mul3A_101 = arith.muli %select_n3A_99, %mul3A_100 : i32
      %swap3A = arith.index_cast %select_n3A : i32 to index
      %swap3A_102 = arith.index_cast %mul3A_101 : i32 to index
      %swap3A_103 = tpu.vector_load %arg9[%swap3A, %swap3A_102] {strides = array<i32>} : memref<128x128xf32, #tpu.memory_space<vmem>>, vector<1x16xf32>,
      %swap3A_104 = vector.shape_cast %swap3A_103 : vector<1x16xf32> to vector<16xf32>
      %swap3A_105 = vector.shape_cast %broadcast_in_dim3A_69 : vector<16xf32> to vector<1x16xf32>
      tpu.vector_store %arg9[%swap3A, %swap3A_102], %swap3A_105 {strides = array<i32>} : memref<128x128xf32, #tpu.memory_space<vmem>>, vector<1x16xf32>,
      %scan3A_106 = arith.constant 0 : i32
      scf.yield %scan3A_106 : i32
    }
    %scan3A_6 = arith.constant 1024 : i32
    %mul3A_7 = arith.constant 640 : i32
    %mul3A_8 = arith.muli %arg1, %mul3A_7 : i32
    %add3A_9 = arith.constant 0 : i32
    %add3A_10 = arith.addi %mul3A_8, %add3A_9 : i32
    "tpu.region"() ({
      %run_scoped3A = tpu.sem_alloc : memref<!tpu.dma_semaphore, #tpu.memory_space<semaphore_mem>>
      %dma_start3A_67 = arith.constant 0 : i32
      %dma_start3A_68 = tpu.memref_slice %arg6[%add3A_10, %dma_start3A_67] : memref<10240x128xf32, #tpu.memory_space<vmem_shared>> -> memref<128x128xf32, #tpu.memory_space<vmem_shared>>
      %dma_start3A_69 = arith.constant 0 : i32
      %dma_start3A_70 = tpu.memref_slice %arg6[%add3A_10, %dma_start3A_69] : memref<10240x128xf32, #tpu.memory_space<vmem_shared>> -> memref<128x128xf32, #tpu.memory_space<vmem_shared>>
      tpu.enqueue_dma source(%arg9 : memref<128x128xf32, #tpu.memory_space<vmem>>) target(%dma_start3A_70 : memref<128x128xf32, #tpu.memory_space<vmem_shared>>) target_semaphore(%run_scoped3A : memref<!tpu.dma_semaphore, #tpu.memory_space<semaphore_mem>>)
      %dma_wait3A = arith.constant 0 : i32
      %dma_wait3A_71 = tpu.memref_slice %arg6[%add3A_10, %dma_wait3A] : memref<10240x128xf32, #tpu.memory_space<vmem_shared>> -> memref<128x128xf32, #tpu.memory_space<vmem_shared>>
      %dma_wait3A_72 = arith.constant 0 : i32
      %dma_wait3A_73 = tpu.memref_slice %arg6[%add3A_10, %dma_wait3A_72] : memref<10240x128xf32, #tpu.memory_space<vmem_shared>> -> memref<128x128xf32, #tpu.memory_space<vmem_shared>>
      tpu.wait_dma2 semaphore(%run_scoped3A : memref<!tpu.dma_semaphore, #tpu.memory_space<semaphore_mem>>) src(%arg9 : memref<128x128xf32, #tpu.memory_space<vmem>>) dst(%dma_wait3A_73 : memref<128x128xf32, #tpu.memory_space<vmem_shared>>)
      tpu.yield
    }) : () -> ()
    %mul3A_11 = arith.constant 640 : i32
    %mul3A_12 = arith.muli %arg1, %mul3A_11 : i32
    %add3A_13 = arith.constant 128 : i32
    %add3A_14 = arith.addi %mul3A_12, %add3A_13 : i32
    "tpu.region"() ({
      %run_scoped3A = tpu.sem_alloc : memref<!tpu.dma_semaphore, #tpu.memory_space<semaphore_mem>>
      %dma_start3A_67 = arith.constant 0 : i32
      %dma_start3A_68 = tpu.memref_slice %arg6[%add3A_14, %dma_start3A_67] : memref<10240x128xf32, #tpu.memory_space<vmem_shared>> -> memref<128x128xf32, #tpu.memory_space<vmem_shared>>
      %dma_start3A_69 = arith.constant 0 : i32
      %dma_start3A_70 = tpu.memref_slice %arg6[%add3A_14, %dma_start3A_69] : memref<10240x128xf32, #tpu.memory_space<vmem_shared>> -> memref<128x128xf32, #tpu.memory_space<vmem_shared>>
      tpu.enqueue_dma source(%arg9 : memref<128x128xf32, #tpu.memory_space<vmem>>) target(%dma_start3A_70 : memref<128x128xf32, #tpu.memory_space<vmem_shared>>) target_semaphore(%run_scoped3A : memref<!tpu.dma_semaphore, #tpu.memory_space<semaphore_mem>>)
      %dma_wait3A = arith.constant 0 : i32
      %dma_wait3A_71 = tpu.memref_slice %arg6[%add3A_14, %dma_wait3A] : memref<10240x128xf32, #tpu.memory_space<vmem_shared>> -> memref<128x128xf32, #tpu.memory_space<vmem_shared>>
      %dma_wait3A_72 = arith.constant 0 : i32
      %dma_wait3A_73 = tpu.memref_slice %arg6[%add3A_14, %dma_wait3A_72] : memref<10240x128xf32, #tpu.memory_space<vmem_shared>> -> memref<128x128xf32, #tpu.memory_space<vmem_shared>>
      tpu.wait_dma2 semaphore(%run_scoped3A : memref<!tpu.dma_semaphore, #tpu.memory_space<semaphore_mem>>) src(%arg9 : memref<128x128xf32, #tpu.memory_space<vmem>>) dst(%dma_wait3A_73 : memref<128x128xf32, #tpu.memory_space<vmem_shared>>)
      tpu.yield
    }) : () -> ()
    %mul3A_15 = arith.constant 640 : i32
    %mul3A_16 = arith.muli %arg1, %mul3A_15 : i32
    %add3A_17 = arith.constant 256 : i32
    %add3A_18 = arith.addi %mul3A_16, %add3A_17 : i32
    "tpu.region"() ({
      %run_scoped3A = tpu.sem_alloc : memref<!tpu.dma_semaphore, #tpu.memory_space<semaphore_mem>>
      %dma_start3A_67 = arith.constant 0 : i32
      %dma_start3A_68 = tpu.memref_slice %arg6[%add3A_18, %dma_start3A_67] : memref<10240x128xf32, #tpu.memory_space<vmem_shared>> -> memref<128x128xf32, #tpu.memory_space<vmem_shared>>
      %dma_start3A_69 = arith.constant 0 : i32
      %dma_start3A_70 = tpu.memref_slice %arg6[%add3A_18, %dma_start3A_69] : memref<10240x128xf32, #tpu.memory_space<vmem_shared>> -> memref<128x128xf32, #tpu.memory_space<vmem_shared>>
      tpu.enqueue_dma source(%arg9 : memref<128x128xf32, #tpu.memory_space<vmem>>) target(%dma_start3A_70 : memref<128x128xf32, #tpu.memory_space<vmem_shared>>) target_semaphore(%run_scoped3A : memref<!tpu.dma_semaphore, #tpu.memory_space<semaphore_mem>>)
      %dma_wait3A = arith.constant 0 : i32
      %dma_wait3A_71 = tpu.memref_slice %arg6[%add3A_18, %dma_wait3A] : memref<10240x128xf32, #tpu.memory_space<vmem_shared>> -> memref<128x128xf32, #tpu.memory_space<vmem_shared>>
      %dma_wait3A_72 = arith.constant 0 : i32
      %dma_wait3A_73 = tpu.memref_slice %arg6[%add3A_18, %dma_wait3A_72] : memref<10240x128xf32, #tpu.memory_space<vmem_shared>> -> memref<128x128xf32, #tpu.memory_space<vmem_shared>>
      tpu.wait_dma2 semaphore(%run_scoped3A : memref<!tpu.dma_semaphore, #tpu.memory_space<semaphore_mem>>) src(%arg9 : memref<128x128xf32, #tpu.memory_space<vmem>>) dst(%dma_wait3A_73 : memref<128x128xf32, #tpu.memory_space<vmem_shared>>)
      tpu.yield
    }) : () -> ()
    %mul3A_19 = arith.constant 640 : i32
    %mul3A_20 = arith.muli %arg1, %mul3A_19 : i32
    %add3A_21 = arith.constant 384 : i32
    %add3A_22 = arith.addi %mul3A_20, %add3A_21 : i32
    "tpu.region"() ({
      %run_scoped3A = tpu.sem_alloc : memref<!tpu.dma_semaphore, #tpu.memory_space<semaphore_mem>>
      %dma_start3A_67 = arith.constant 0 : i32
      %dma_start3A_68 = tpu.memref_slice %arg6[%add3A_22, %dma_start3A_67] : memref<10240x128xf32, #tpu.memory_space<vmem_shared>> -> memref<128x128xf32, #tpu.memory_space<vmem_shared>>
      %dma_start3A_69 = arith.constant 0 : i32
      %dma_start3A_70 = tpu.memref_slice %arg6[%add3A_22, %dma_start3A_69] : memref<10240x128xf32, #tpu.memory_space<vmem_shared>> -> memref<128x128xf32, #tpu.memory_space<vmem_shared>>
      tpu.enqueue_dma source(%arg9 : memref<128x128xf32, #tpu.memory_space<vmem>>) target(%dma_start3A_70 : memref<128x128xf32, #tpu.memory_space<vmem_shared>>) target_semaphore(%run_scoped3A : memref<!tpu.dma_semaphore, #tpu.memory_space<semaphore_mem>>)
      %dma_wait3A = arith.constant 0 : i32
      %dma_wait3A_71 = tpu.memref_slice %arg6[%add3A_22, %dma_wait3A] : memref<10240x128xf32, #tpu.memory_space<vmem_shared>> -> memref<128x128xf32, #tpu.memory_space<vmem_shared>>
      %dma_wait3A_72 = arith.constant 0 : i32
      %dma_wait3A_73 = tpu.memref_slice %arg6[%add3A_22, %dma_wait3A_72] : memref<10240x128xf32, #tpu.memory_space<vmem_shared>> -> memref<128x128xf32, #tpu.memory_space<vmem_shared>>
      tpu.wait_dma2 semaphore(%run_scoped3A : memref<!tpu.dma_semaphore, #tpu.memory_space<semaphore_mem>>) src(%arg9 : memref<128x128xf32, #tpu.memory_space<vmem>>) dst(%dma_wait3A_73 : memref<128x128xf32, #tpu.memory_space<vmem_shared>>)
      tpu.yield
    }) : () -> ()
    %mul3A_23 = arith.constant 640 : i32
    %mul3A_24 = arith.muli %arg1, %mul3A_23 : i32
    %add3A_25 = arith.constant 512 : i32
    %add3A_26 = arith.addi %mul3A_24, %add3A_25 : i32
    "tpu.region"() ({
      %run_scoped3A = tpu.sem_alloc : memref<!tpu.dma_semaphore, #tpu.memory_space<semaphore_mem>>
      %dma_start3A_67 = arith.constant 0 : i32
      %dma_start3A_68 = tpu.memref_slice %arg6[%add3A_26, %dma_start3A_67] : memref<10240x128xf32, #tpu.memory_space<vmem_shared>> -> memref<128x128xf32, #tpu.memory_space<vmem_shared>>
      %dma_start3A_69 = arith.constant 0 : i32
      %dma_start3A_70 = tpu.memref_slice %arg6[%add3A_26, %dma_start3A_69] : memref<10240x128xf32, #tpu.memory_space<vmem_shared>> -> memref<128x128xf32, #tpu.memory_space<vmem_shared>>
      tpu.enqueue_dma source(%arg9 : memref<128x128xf32, #tpu.memory_space<vmem>>) target(%dma_start3A_70 : memref<128x128xf32, #tpu.memory_space<vmem_shared>>) target_semaphore(%run_scoped3A : memref<!tpu.dma_semaphore, #tpu.memory_space<semaphore_mem>>)
      %dma_wait3A = arith.constant 0 : i32
      %dma_wait3A_71 = tpu.memref_slice %arg6[%add3A_26, %dma_wait3A] : memref<10240x128xf32, #tpu.memory_space<vmem_shared>> -> memref<128x128xf32, #tpu.memory_space<vmem_shared>>
      %dma_wait3A_72 = arith.constant 0 : i32
      %dma_wait3A_73 = tpu.memref_slice %arg6[%add3A_26, %dma_wait3A_72] : memref<10240x128xf32, #tpu.memory_space<vmem_shared>> -> memref<128x128xf32, #tpu.memory_space<vmem_shared>>
      tpu.wait_dma2 semaphore(%run_scoped3A : memref<!tpu.dma_semaphore, #tpu.memory_space<semaphore_mem>>) src(%arg9 : memref<128x128xf32, #tpu.memory_space<vmem>>) dst(%dma_wait3A_73 : memref<128x128xf32, #tpu.memory_space<vmem_shared>>)
      tpu.yield
    }) : () -> ()
    %barrier3A = arith.constant 0 : index
    tpu.barrier barrier_id(%barrier3A)
    %mul3A_27 = arith.constant 80 : i32
    %mul3A_28 = arith.muli %add3A, %mul3A_27 : i32
    %add3A_29 = arith.constant 0 : i32
    %add3A_30 = arith.addi %mul3A_28, %add3A_29 : i32
    "tpu.region"() ({
      %run_scoped3A = tpu.sem_alloc : memref<!tpu.dma_semaphore, #tpu.memory_space<semaphore_mem>>
      %dma_start3A_67 = arith.constant 0 : i32
      %dma_start3A_68 = tpu.memref_slice %arg3[%add3A_30, %dma_start3A_67] : memref<2560x128xi32, #tpu.memory_space<hbm>> -> memref<40x128xi32, #tpu.memory_space<hbm>>
      %dma_start3A_69 = arith.constant 0 : i32
      %dma_start3A_70 = tpu.memref_slice %arg3[%add3A_30, %dma_start3A_69] : memref<2560x128xi32, #tpu.memory_space<hbm>> -> memref<40x128xi32, #tpu.memory_space<hbm>>
      tpu.enqueue_dma source(%dma_start3A_70 : memref<40x128xi32, #tpu.memory_space<hbm>>) target(%arg7 : memref<40x128xi32, #tpu.memory_space<vmem>>) target_semaphore(%run_scoped3A : memref<!tpu.dma_semaphore, #tpu.memory_space<semaphore_mem>>)
      %dma_wait3A = arith.constant 0 : i32
      %dma_wait3A_71 = tpu.memref_slice %arg3[%add3A_30, %dma_wait3A] : memref<2560x128xi32, #tpu.memory_space<hbm>> -> memref<40x128xi32, #tpu.memory_space<hbm>>
      %dma_wait3A_72 = arith.constant 0 : i32
      %dma_wait3A_73 = tpu.memref_slice %arg3[%add3A_30, %dma_wait3A_72] : memref<2560x128xi32, #tpu.memory_space<hbm>> -> memref<40x128xi32, #tpu.memory_space<hbm>>
      tpu.wait_dma2 semaphore(%run_scoped3A : memref<!tpu.dma_semaphore, #tpu.memory_space<semaphore_mem>>) src(%dma_wait3A_73 : memref<40x128xi32, #tpu.memory_space<hbm>>) dst(%arg7 : memref<40x128xi32, #tpu.memory_space<vmem>>)
      tpu.yield
    }) : () -> ()
    "tpu.region"() ({
      %run_scoped3A = tpu.sem_alloc : memref<!tpu.dma_semaphore, #tpu.memory_space<semaphore_mem>>
      %dma_start3A_67 = arith.constant 0 : i32
      %dma_start3A_68 = tpu.memref_slice %arg4[%add3A_30, %dma_start3A_67] : memref<2560x128xi32, #tpu.memory_space<hbm>> -> memref<40x128xi32, #tpu.memory_space<hbm>>
      %dma_start3A_69 = arith.constant 0 : i32
      %dma_start3A_70 = tpu.memref_slice %arg4[%add3A_30, %dma_start3A_69] : memref<2560x128xi32, #tpu.memory_space<hbm>> -> memref<40x128xi32, #tpu.memory_space<hbm>>
      tpu.enqueue_dma source(%dma_start3A_70 : memref<40x128xi32, #tpu.memory_space<hbm>>) target(%arg8 : memref<40x128xi32, #tpu.memory_space<vmem>>) target_semaphore(%run_scoped3A : memref<!tpu.dma_semaphore, #tpu.memory_space<semaphore_mem>>)
      %dma_wait3A = arith.constant 0 : i32
      %dma_wait3A_71 = tpu.memref_slice %arg4[%add3A_30, %dma_wait3A] : memref<2560x128xi32, #tpu.memory_space<hbm>> -> memref<40x128xi32, #tpu.memory_space<hbm>>
      %dma_wait3A_72 = arith.constant 0 : i32
      %dma_wait3A_73 = tpu.memref_slice %arg4[%add3A_30, %dma_wait3A_72] : memref<2560x128xi32, #tpu.memory_space<hbm>> -> memref<40x128xi32, #tpu.memory_space<hbm>>
      tpu.wait_dma2 semaphore(%run_scoped3A : memref<!tpu.dma_semaphore, #tpu.memory_space<semaphore_mem>>) src(%dma_wait3A_73 : memref<40x128xi32, #tpu.memory_space<hbm>>) dst(%arg8 : memref<40x128xi32, #tpu.memory_space<vmem>>)
      tpu.yield
    }) : () -> ()
    %dma_start3A = arith.constant 0 : i32
    %dma_start3A_31 = arith.constant 0 : i32
    %dma_start3A_32 = tpu.memref_slice %arg7[%dma_start3A, %dma_start3A_31] : memref<40x128xi32, #tpu.memory_space<vmem>> -> memref<1x128xi32, #tpu.memory_space<vmem>>
    %dma_start3A_33 = tpu.memref_squeeze %dma_start3A_32 : memref<1x128xi32, #tpu.memory_space<vmem>> -> memref<128xi32, #tpu.memory_space<vmem>>
    %dma_start3A_34 = arith.constant 0 : i32
    %dma_start3A_35 = arith.constant 0 : i32
    %dma_start3A_36 = tpu.memref_slice %arg2[%dma_start3A_34, %dma_start3A_35] : memref<10240x128xf32, #tpu.memory_space<hbm>> -> memref<10240x128xf32, #tpu.memory_space<hbm>>
    tpu.enqueue_indirect_dma source(%dma_start3A_36 : memref<10240x128xf32, #tpu.memory_space<hbm>>) target(%arg9 : memref<128x128xf32, #tpu.memory_space<vmem>>) offsets(%dma_start3A_33 : memref<128xi32, #tpu.memory_space<vmem>>) semaphore(%arg11 : memref<!tpu.dma_semaphore, #tpu.memory_space<semaphore_mem>>)
    %scan3A_37 = arith.constant 0 : i32
    %scan3A_38 = arith.constant 0 : i32
    %scan3A_39 = arith.constant 20 : i32
    %scan3A_40 = arith.addi %scan3A_38, %scan3A_39 : i32
    %scan3A_41 = arith.constant 1 : i32
    %scan3A_42 = scf.for %scan3A_67 = %scan3A_38 to %scan3A_40 step %scan3A_41 iter_args(%scan3A_68 = %scan3A_37) -> (i32)  : i32 {
      %mul3A_69 = arith.constant 2 : i32
      %mul3A_70 = arith.muli %mul3A_69, %scan3A_67 : i32
      %dma_wait3A = arith.constant 0 : i32
      %dma_wait3A_71 = tpu.memref_slice %arg7[%mul3A_70, %dma_wait3A] : memref<40x128xi32, #tpu.memory_space<vmem>> -> memref<1x128xi32, #tpu.memory_space<vmem>>
      %dma_wait3A_72 = tpu.memref_squeeze %dma_wait3A_71 : memref<1x128xi32, #tpu.memory_space<vmem>> -> memref<128xi32, #tpu.memory_space<vmem>>
      %dma_wait3A_73 = arith.constant 0 : i32
      %dma_wait3A_74 = arith.constant 0 : i32
      %dma_wait3A_75 = tpu.memref_slice %arg2[%dma_wait3A_73, %dma_wait3A_74] : memref<10240x128xf32, #tpu.memory_space<hbm>> -> memref<10240x128xf32, #tpu.memory_space<hbm>>
      tpu.wait_indirect_dma semaphore(%arg11 : memref<!tpu.dma_semaphore, #tpu.memory_space<semaphore_mem>>) src(%dma_wait3A_75 : memref<10240x128xf32, #tpu.memory_space<hbm>>) dst(%arg9 : memref<128x128xf32, #tpu.memory_space<vmem>>)
      %add3A_76 = arith.constant 1 : i32
      %add3A_77 = arith.addi %mul3A_70, %add3A_76 : i32
      %dma_start3A_78 = arith.constant 0 : i32
      %dma_start3A_79 = tpu.memref_slice %arg7[%add3A_77, %dma_start3A_78] : memref<40x128xi32, #tpu.memory_space<vmem>> -> memref<1x128xi32, #tpu.memory_space<vmem>>
      %dma_start3A_80 = tpu.memref_squeeze %dma_start3A_79 : memref<1x128xi32, #tpu.memory_space<vmem>> -> memref<128xi32, #tpu.memory_space<vmem>>
      %dma_start3A_81 = arith.constant 0 : i32
      %dma_start3A_82 = arith.constant 0 : i32
      %dma_start3A_83 = tpu.memref_slice %arg2[%dma_start3A_81, %dma_start3A_82] : memref<10240x128xf32, #tpu.memory_space<hbm>> -> memref<10240x128xf32, #tpu.memory_space<hbm>>
      tpu.enqueue_indirect_dma source(%dma_start3A_83 : memref<10240x128xf32, #tpu.memory_space<hbm>>) target(%arg10 : memref<128x128xf32, #tpu.memory_space<vmem>>) offsets(%dma_start3A_80 : memref<128xi32, #tpu.memory_space<vmem>>) semaphore(%arg12 : memref<!tpu.dma_semaphore, #tpu.memory_space<semaphore_mem>>)
      "tpu.region"() ({
        %run_scoped3A = tpu.sem_alloc : memref<!tpu.dma_semaphore, #tpu.memory_space<semaphore_mem>>
        %dma_start3A_99 = arith.constant 0 : i32
        %dma_start3A_100 = tpu.memref_slice %arg8[%mul3A_70, %dma_start3A_99] : memref<40x128xi32, #tpu.memory_space<vmem>> -> memref<1x128xi32, #tpu.memory_space<vmem>>
        %dma_start3A_101 = tpu.memref_squeeze %dma_start3A_100 : memref<1x128xi32, #tpu.memory_space<vmem>> -> memref<128xi32, #tpu.memory_space<vmem>>
        %dma_start3A_102 = arith.constant 0 : i32
        %dma_start3A_103 = arith.constant 0 : i32
        %dma_start3A_104 = tpu.memref_slice %arg6[%dma_start3A_102, %dma_start3A_103] : memref<10240x128xf32, #tpu.memory_space<vmem_shared>> -> memref<10240x128xf32, #tpu.memory_space<vmem_shared>>
        tpu.enqueue_indirect_dma source(%arg9 : memref<128x128xf32, #tpu.memory_space<vmem>>) target(%dma_start3A_104 : memref<10240x128xf32, #tpu.memory_space<vmem_shared>>) offsets(%dma_start3A_101 : memref<128xi32, #tpu.memory_space<vmem>>) semaphore(%run_scoped3A : memref<!tpu.dma_semaphore, #tpu.memory_space<semaphore_mem>>) {add = true}
        %dma_wait3A_105 = arith.constant 0 : i32
        %dma_wait3A_106 = tpu.memref_slice %arg8[%mul3A_70, %dma_wait3A_105] : memref<40x128xi32, #tpu.memory_space<vmem>> -> memref<1x128xi32, #tpu.memory_space<vmem>>
        %dma_wait3A_107 = tpu.memref_squeeze %dma_wait3A_106 : memref<1x128xi32, #tpu.memory_space<vmem>> -> memref<128xi32, #tpu.memory_space<vmem>>
        %dma_wait3A_108 = arith.constant 0 : i32
        %dma_wait3A_109 = arith.constant 0 : i32
        %dma_wait3A_110 = tpu.memref_slice %arg6[%dma_wait3A_108, %dma_wait3A_109] : memref<10240x128xf32, #tpu.memory_space<vmem_shared>> -> memref<10240x128xf32, #tpu.memory_space<vmem_shared>>
        tpu.wait_indirect_dma semaphore(%run_scoped3A : memref<!tpu.dma_semaphore, #tpu.memory_space<semaphore_mem>>) src(%arg9 : memref<128x128xf32, #tpu.memory_space<vmem>>) dst(%dma_wait3A_110 : memref<10240x128xf32, #tpu.memory_space<vmem_shared>>)
        tpu.yield
      }) : () -> ()
      %add3A_84 = arith.constant 2 : i32
      %add3A_85 = arith.addi %mul3A_70, %add3A_84 : i32
      %lt3A = arith.constant 40 : i32
      %lt3A_86 = arith.cmpi slt, %add3A_85, %lt3A : i32
      %convert_element_type3A = arith.extui %lt3A_86 : i1 to i32
      %cond3A = arith.constant 0 : i32
      %cond3A_87 = arith.cmpi ne, %convert_element_type3A, %cond3A : i32
      scf.if %cond3A_87 {
        %add3A_99 = arith.constant 2 : i32
        %add3A_100 = arith.addi %mul3A_70, %add3A_99 : i32
        %dma_start3A_101 = arith.constant 0 : i32
        %dma_start3A_102 = tpu.memref_slice %arg7[%add3A_100, %dma_start3A_101] : memref<40x128xi32, #tpu.memory_space<vmem>> -> memref<1x128xi32, #tpu.memory_space<vmem>>
        %dma_start3A_103 = tpu.memref_squeeze %dma_start3A_102 : memref<1x128xi32, #tpu.memory_space<vmem>> -> memref<128xi32, #tpu.memory_space<vmem>>
        %dma_start3A_104 = arith.constant 0 : i32
        %dma_start3A_105 = arith.constant 0 : i32
        %dma_start3A_106 = tpu.memref_slice %arg2[%dma_start3A_104, %dma_start3A_105] : memref<10240x128xf32, #tpu.memory_space<hbm>> -> memref<10240x128xf32, #tpu.memory_space<hbm>>
        tpu.enqueue_indirect_dma source(%dma_start3A_106 : memref<10240x128xf32, #tpu.memory_space<hbm>>) target(%arg9 : memref<128x128xf32, #tpu.memory_space<vmem>>) offsets(%dma_start3A_103 : memref<128xi32, #tpu.memory_space<vmem>>) semaphore(%arg11 : memref<!tpu.dma_semaphore, #tpu.memory_space<semaphore_mem>>)
      } else {
      }
      %add3A_88 = arith.constant 1 : i32
      %add3A_89 = arith.addi %mul3A_70, %add3A_88 : i32
      %dma_wait3A_90 = arith.constant 0 : i32
      %dma_wait3A_91 = tpu.memref_slice %arg7[%add3A_89, %dma_wait3A_90] : memref<40x128xi32, #tpu.memory_space<vmem>> -> memref<1x128xi32, #tpu.memory_space<vmem>>
      %dma_wait3A_92 = tpu.memref_squeeze %dma_wait3A_91 : memref<1x128xi32, #tpu.memory_space<vmem>> -> memref<128xi32, #tpu.memory_space<vmem>>
      %dma_wait3A_93 = arith.constant 0 : i32
      %dma_wait3A_94 = arith.constant 0 : i32
      %dma_wait3A_95 = tpu.memref_slice %arg2[%dma_wait3A_93, %dma_wait3A_94] : memref<10240x128xf32, #tpu.memory_space<hbm>> -> memref<10240x128xf32, #tpu.memory_space<hbm>>
      tpu.wait_indirect_dma semaphore(%arg12 : memref<!tpu.dma_semaphore, #tpu.memory_space<semaphore_mem>>) src(%dma_wait3A_95 : memref<10240x128xf32, #tpu.memory_space<hbm>>) dst(%arg10 : memref<128x128xf32, #tpu.memory_space<vmem>>)
      %add3A_96 = arith.constant 1 : i32
      %add3A_97 = arith.addi %mul3A_70, %add3A_96 : i32
      "tpu.region"() ({
        %run_scoped3A = tpu.sem_alloc : memref<!tpu.dma_semaphore, #tpu.memory_space<semaphore_mem>>
        %dma_start3A_99 = arith.constant 0 : i32
        %dma_start3A_100 = tpu.memref_slice %arg8[%add3A_97, %dma_start3A_99] : memref<40x128xi32, #tpu.memory_space<vmem>> -> memref<1x128xi32, #tpu.memory_space<vmem>>
        %dma_start3A_101 = tpu.memref_squeeze %dma_start3A_100 : memref<1x128xi32, #tpu.memory_space<vmem>> -> memref<128xi32, #tpu.memory_space<vmem>>
        %dma_start3A_102 = arith.constant 0 : i32
        %dma_start3A_103 = arith.constant 0 : i32
        %dma_start3A_104 = tpu.memref_slice %arg6[%dma_start3A_102, %dma_start3A_103] : memref<10240x128xf32, #tpu.memory_space<vmem_shared>> -> memref<10240x128xf32, #tpu.memory_space<vmem_shared>>
        tpu.enqueue_indirect_dma source(%arg10 : memref<128x128xf32, #tpu.memory_space<vmem>>) target(%dma_start3A_104 : memref<10240x128xf32, #tpu.memory_space<vmem_shared>>) offsets(%dma_start3A_101 : memref<128xi32, #tpu.memory_space<vmem>>) semaphore(%run_scoped3A : memref<!tpu.dma_semaphore, #tpu.memory_space<semaphore_mem>>) {add = true}
        %dma_wait3A_105 = arith.constant 0 : i32
        %dma_wait3A_106 = tpu.memref_slice %arg8[%add3A_97, %dma_wait3A_105] : memref<40x128xi32, #tpu.memory_space<vmem>> -> memref<1x128xi32, #tpu.memory_space<vmem>>
        %dma_wait3A_107 = tpu.memref_squeeze %dma_wait3A_106 : memref<1x128xi32, #tpu.memory_space<vmem>> -> memref<128xi32, #tpu.memory_space<vmem>>
        %dma_wait3A_108 = arith.constant 0 : i32
        %dma_wait3A_109 = arith.constant 0 : i32
        %dma_wait3A_110 = tpu.memref_slice %arg6[%dma_wait3A_108, %dma_wait3A_109] : memref<10240x128xf32, #tpu.memory_space<vmem_shared>> -> memref<10240x128xf32, #tpu.memory_space<vmem_shared>>
        tpu.wait_indirect_dma semaphore(%run_scoped3A : memref<!tpu.dma_semaphore, #tpu.memory_space<semaphore_mem>>) src(%arg10 : memref<128x128xf32, #tpu.memory_space<vmem>>) dst(%dma_wait3A_110 : memref<10240x128xf32, #tpu.memory_space<vmem_shared>>)
        tpu.yield
      }) : () -> ()
      %scan3A_98 = arith.constant 0 : i32
      scf.yield %scan3A_98 : i32
    }
    %scan3A_43 = arith.constant 20 : i32
    %mul3A_44 = arith.constant 80 : i32
    %mul3A_45 = arith.muli %add3A, %mul3A_44 : i32
    %add3A_46 = arith.constant 40 : i32
    %add3A_47 = arith.addi %mul3A_45, %add3A_46 : i32
    "tpu.region"() ({
      %run_scoped3A = tpu.sem_alloc : memref<!tpu.dma_semaphore, #tpu.memory_space<semaphore_mem>>
      %dma_start3A_67 = arith.constant 0 : i32
      %dma_start3A_68 = tpu.memref_slice %arg3[%add3A_47, %dma_start3A_67] : memref<2560x128xi32, #tpu.memory_space<hbm>> -> memref<40x128xi32, #tpu.memory_space<hbm>>
      %dma_start3A_69 = arith.constant 0 : i32
      %dma_start3A_70 = tpu.memref_slice %arg3[%add3A_47, %dma_start3A_69] : memref<2560x128xi32, #tpu.memory_space<hbm>> -> memref<40x128xi32, #tpu.memory_space<hbm>>
      tpu.enqueue_dma source(%dma_start3A_70 : memref<40x128xi32, #tpu.memory_space<hbm>>) target(%arg7 : memref<40x128xi32, #tpu.memory_space<vmem>>) target_semaphore(%run_scoped3A : memref<!tpu.dma_semaphore, #tpu.memory_space<semaphore_mem>>)
      %dma_wait3A = arith.constant 0 : i32
      %dma_wait3A_71 = tpu.memref_slice %arg3[%add3A_47, %dma_wait3A] : memref<2560x128xi32, #tpu.memory_space<hbm>> -> memref<40x128xi32, #tpu.memory_space<hbm>>
      %dma_wait3A_72 = arith.constant 0 : i32
      %dma_wait3A_73 = tpu.memref_slice %arg3[%add3A_47, %dma_wait3A_72] : memref<2560x128xi32, #tpu.memory_space<hbm>> -> memref<40x128xi32, #tpu.memory_space<hbm>>
      tpu.wait_dma2 semaphore(%run_scoped3A : memref<!tpu.dma_semaphore, #tpu.memory_space<semaphore_mem>>) src(%dma_wait3A_73 : memref<40x128xi32, #tpu.memory_space<hbm>>) dst(%arg7 : memref<40x128xi32, #tpu.memory_space<vmem>>)
      tpu.yield
    }) : () -> ()
    "tpu.region"() ({
      %run_scoped3A = tpu.sem_alloc : memref<!tpu.dma_semaphore, #tpu.memory_space<semaphore_mem>>
      %dma_start3A_67 = arith.constant 0 : i32
      %dma_start3A_68 = tpu.memref_slice %arg4[%add3A_47, %dma_start3A_67] : memref<2560x128xi32, #tpu.memory_space<hbm>> -> memref<40x128xi32, #tpu.memory_space<hbm>>
      %dma_start3A_69 = arith.constant 0 : i32
      %dma_start3A_70 = tpu.memref_slice %arg4[%add3A_47, %dma_start3A_69] : memref<2560x128xi32, #tpu.memory_space<hbm>> -> memref<40x128xi32, #tpu.memory_space<hbm>>
      tpu.enqueue_dma source(%dma_start3A_70 : memref<40x128xi32, #tpu.memory_space<hbm>>) target(%arg8 : memref<40x128xi32, #tpu.memory_space<vmem>>) target_semaphore(%run_scoped3A : memref<!tpu.dma_semaphore, #tpu.memory_space<semaphore_mem>>)
      %dma_wait3A = arith.constant 0 : i32
      %dma_wait3A_71 = tpu.memref_slice %arg4[%add3A_47, %dma_wait3A] : memref<2560x128xi32, #tpu.memory_space<hbm>> -> memref<40x128xi32, #tpu.memory_space<hbm>>
      %dma_wait3A_72 = arith.constant 0 : i32
      %dma_wait3A_73 = tpu.memref_slice %arg4[%add3A_47, %dma_wait3A_72] : memref<2560x128xi32, #tpu.memory_space<hbm>> -> memref<40x128xi32, #tpu.memory_space<hbm>>
      tpu.wait_dma2 semaphore(%run_scoped3A : memref<!tpu.dma_semaphore, #tpu.memory_space<semaphore_mem>>) src(%dma_wait3A_73 : memref<40x128xi32, #tpu.memory_space<hbm>>) dst(%arg8 : memref<40x128xi32, #tpu.memory_space<vmem>>)
      tpu.yield
    }) : () -> ()
    %dma_start3A_48 = arith.constant 0 : i32
    %dma_start3A_49 = arith.constant 0 : i32
    %dma_start3A_50 = tpu.memref_slice %arg7[%dma_start3A_48, %dma_start3A_49] : memref<40x128xi32, #tpu.memory_space<vmem>> -> memref<1x128xi32, #tpu.memory_space<vmem>>
    %dma_start3A_51 = tpu.memref_squeeze %dma_start3A_50 : memref<1x128xi32, #tpu.memory_space<vmem>> -> memref<128xi32, #tpu.memory_space<vmem>>
    %dma_start3A_52 = arith.constant 0 : i32
    %dma_start3A_53 = arith.constant 0 : i32
    %dma_start3A_54 = tpu.memref_slice %arg2[%dma_start3A_52, %dma_start3A_53] : memref<10240x128xf32, #tpu.memory_space<hbm>> -> memref<10240x128xf32, #tpu.memory_space<hbm>>
    tpu.enqueue_indirect_dma source(%dma_start3A_54 : memref<10240x128xf32, #tpu.memory_space<hbm>>) target(%arg9 : memref<128x128xf32, #tpu.memory_space<vmem>>) offsets(%dma_start3A_51 : memref<128xi32, #tpu.memory_space<vmem>>) semaphore(%arg11 : memref<!tpu.dma_semaphore, #tpu.memory_space<semaphore_mem>>)
    %scan3A_55 = arith.constant 0 : i32
    %scan3A_56 = arith.constant 0 : i32
    %scan3A_57 = arith.constant 20 : i32
    %scan3A_58 = arith.addi %scan3A_56, %scan3A_57 : i32
    %scan3A_59 = arith.constant 1 : i32
    %scan3A_60 = scf.for %scan3A_67 = %scan3A_56 to %scan3A_58 step %scan3A_59 iter_args(%scan3A_68 = %scan3A_55) -> (i32)  : i32 {
      %mul3A_69 = arith.constant 2 : i32
      %mul3A_70 = arith.muli %mul3A_69, %scan3A_67 : i32
      %dma_wait3A = arith.constant 0 : i32
      %dma_wait3A_71 = tpu.memref_slice %arg7[%mul3A_70, %dma_wait3A] : memref<40x128xi32, #tpu.memory_space<vmem>> -> memref<1x128xi32, #tpu.memory_space<vmem>>
      %dma_wait3A_72 = tpu.memref_squeeze %dma_wait3A_71 : memref<1x128xi32, #tpu.memory_space<vmem>> -> memref<128xi32, #tpu.memory_space<vmem>>
      %dma_wait3A_73 = arith.constant 0 : i32
      %dma_wait3A_74 = arith.constant 0 : i32
      %dma_wait3A_75 = tpu.memref_slice %arg2[%dma_wait3A_73, %dma_wait3A_74] : memref<10240x128xf32, #tpu.memory_space<hbm>> -> memref<10240x128xf32, #tpu.memory_space<hbm>>
      tpu.wait_indirect_dma semaphore(%arg11 : memref<!tpu.dma_semaphore, #tpu.memory_space<semaphore_mem>>) src(%dma_wait3A_75 : memref<10240x128xf32, #tpu.memory_space<hbm>>) dst(%arg9 : memref<128x128xf32, #tpu.memory_space<vmem>>)
      %add3A_76 = arith.constant 1 : i32
      %add3A_77 = arith.addi %mul3A_70, %add3A_76 : i32
      %dma_start3A_78 = arith.constant 0 : i32
      %dma_start3A_79 = tpu.memref_slice %arg7[%add3A_77, %dma_start3A_78] : memref<40x128xi32, #tpu.memory_space<vmem>> -> memref<1x128xi32, #tpu.memory_space<vmem>>
      %dma_start3A_80 = tpu.memref_squeeze %dma_start3A_79 : memref<1x128xi32, #tpu.memory_space<vmem>> -> memref<128xi32, #tpu.memory_space<vmem>>
      %dma_start3A_81 = arith.constant 0 : i32
      %dma_start3A_82 = arith.constant 0 : i32
      %dma_start3A_83 = tpu.memref_slice %arg2[%dma_start3A_81, %dma_start3A_82] : memref<10240x128xf32, #tpu.memory_space<hbm>> -> memref<10240x128xf32, #tpu.memory_space<hbm>>
      tpu.enqueue_indirect_dma source(%dma_start3A_83 : memref<10240x128xf32, #tpu.memory_space<hbm>>) target(%arg10 : memref<128x128xf32, #tpu.memory_space<vmem>>) offsets(%dma_start3A_80 : memref<128xi32, #tpu.memory_space<vmem>>) semaphore(%arg12 : memref<!tpu.dma_semaphore, #tpu.memory_space<semaphore_mem>>)
      "tpu.region"() ({
        %run_scoped3A = tpu.sem_alloc : memref<!tpu.dma_semaphore, #tpu.memory_space<semaphore_mem>>
        %dma_start3A_99 = arith.constant 0 : i32
        %dma_start3A_100 = tpu.memref_slice %arg8[%mul3A_70, %dma_start3A_99] : memref<40x128xi32, #tpu.memory_space<vmem>> -> memref<1x128xi32, #tpu.memory_space<vmem>>
        %dma_start3A_101 = tpu.memref_squeeze %dma_start3A_100 : memref<1x128xi32, #tpu.memory_space<vmem>> -> memref<128xi32, #tpu.memory_space<vmem>>
        %dma_start3A_102 = arith.constant 0 : i32
        %dma_start3A_103 = arith.constant 0 : i32
        %dma_start3A_104 = tpu.memref_slice %arg6[%dma_start3A_102, %dma_start3A_103] : memref<10240x128xf32, #tpu.memory_space<vmem_shared>> -> memref<10240x128xf32, #tpu.memory_space<vmem_shared>>
        tpu.enqueue_indirect_dma source(%arg9 : memref<128x128xf32, #tpu.memory_space<vmem>>) target(%dma_start3A_104 : memref<10240x128xf32, #tpu.memory_space<vmem_shared>>) offsets(%dma_start3A_101 : memref<128xi32, #tpu.memory_space<vmem>>) semaphore(%run_scoped3A : memref<!tpu.dma_semaphore, #tpu.memory_space<semaphore_mem>>) {add = true}
        %dma_wait3A_105 = arith.constant 0 : i32
        %dma_wait3A_106 = tpu.memref_slice %arg8[%mul3A_70, %dma_wait3A_105] : memref<40x128xi32, #tpu.memory_space<vmem>> -> memref<1x128xi32, #tpu.memory_space<vmem>>
        %dma_wait3A_107 = tpu.memref_squeeze %dma_wait3A_106 : memref<1x128xi32, #tpu.memory_space<vmem>> -> memref<128xi32, #tpu.memory_space<vmem>>
        %dma_wait3A_108 = arith.constant 0 : i32
        %dma_wait3A_109 = arith.constant 0 : i32
        %dma_wait3A_110 = tpu.memref_slice %arg6[%dma_wait3A_108, %dma_wait3A_109] : memref<10240x128xf32, #tpu.memory_space<vmem_shared>> -> memref<10240x128xf32, #tpu.memory_space<vmem_shared>>
        tpu.wait_indirect_dma semaphore(%run_scoped3A : memref<!tpu.dma_semaphore, #tpu.memory_space<semaphore_mem>>) src(%arg9 : memref<128x128xf32, #tpu.memory_space<vmem>>) dst(%dma_wait3A_110 : memref<10240x128xf32, #tpu.memory_space<vmem_shared>>)
        tpu.yield
      }) : () -> ()
      %add3A_84 = arith.constant 2 : i32
      %add3A_85 = arith.addi %mul3A_70, %add3A_84 : i32
      %lt3A = arith.constant 40 : i32
      %lt3A_86 = arith.cmpi slt, %add3A_85, %lt3A : i32
      %convert_element_type3A = arith.extui %lt3A_86 : i1 to i32
      %cond3A = arith.constant 0 : i32
      %cond3A_87 = arith.cmpi ne, %convert_element_type3A, %cond3A : i32
      scf.if %cond3A_87 {
        %add3A_99 = arith.constant 2 : i32
        %add3A_100 = arith.addi %mul3A_70, %add3A_99 : i32
        %dma_start3A_101 = arith.constant 0 : i32
        %dma_start3A_102 = tpu.memref_slice %arg7[%add3A_100, %dma_start3A_101] : memref<40x128xi32, #tpu.memory_space<vmem>> -> memref<1x128xi32, #tpu.memory_space<vmem>>
        %dma_start3A_103 = tpu.memref_squeeze %dma_start3A_102 : memref<1x128xi32, #tpu.memory_space<vmem>> -> memref<128xi32, #tpu.memory_space<vmem>>
        %dma_start3A_104 = arith.constant 0 : i32
        %dma_start3A_105 = arith.constant 0 : i32
        %dma_start3A_106 = tpu.memref_slice %arg2[%dma_start3A_104, %dma_start3A_105] : memref<10240x128xf32, #tpu.memory_space<hbm>> -> memref<10240x128xf32, #tpu.memory_space<hbm>>
        tpu.enqueue_indirect_dma source(%dma_start3A_106 : memref<10240x128xf32, #tpu.memory_space<hbm>>) target(%arg9 : memref<128x128xf32, #tpu.memory_space<vmem>>) offsets(%dma_start3A_103 : memref<128xi32, #tpu.memory_space<vmem>>) semaphore(%arg11 : memref<!tpu.dma_semaphore, #tpu.memory_space<semaphore_mem>>)
      } else {
      }
      %add3A_88 = arith.constant 1 : i32
      %add3A_89 = arith.addi %mul3A_70, %add3A_88 : i32
      %dma_wait3A_90 = arith.constant 0 : i32
      %dma_wait3A_91 = tpu.memref_slice %arg7[%add3A_89, %dma_wait3A_90] : memref<40x128xi32, #tpu.memory_space<vmem>> -> memref<1x128xi32, #tpu.memory_space<vmem>>
      %dma_wait3A_92 = tpu.memref_squeeze %dma_wait3A_91 : memref<1x128xi32, #tpu.memory_space<vmem>> -> memref<128xi32, #tpu.memory_space<vmem>>
      %dma_wait3A_93 = arith.constant 0 : i32
      %dma_wait3A_94 = arith.constant 0 : i32
      %dma_wait3A_95 = tpu.memref_slice %arg2[%dma_wait3A_93, %dma_wait3A_94] : memref<10240x128xf32, #tpu.memory_space<hbm>> -> memref<10240x128xf32, #tpu.memory_space<hbm>>
      tpu.wait_indirect_dma semaphore(%arg12 : memref<!tpu.dma_semaphore, #tpu.memory_space<semaphore_mem>>) src(%dma_wait3A_95 : memref<10240x128xf32, #tpu.memory_space<hbm>>) dst(%arg10 : memref<128x128xf32, #tpu.memory_space<vmem>>)
      %add3A_96 = arith.constant 1 : i32
      %add3A_97 = arith.addi %mul3A_70, %add3A_96 : i32
      "tpu.region"() ({
        %run_scoped3A = tpu.sem_alloc : memref<!tpu.dma_semaphore, #tpu.memory_space<semaphore_mem>>
        %dma_start3A_99 = arith.constant 0 : i32
        %dma_start3A_100 = tpu.memref_slice %arg8[%add3A_97, %dma_start3A_99] : memref<40x128xi32, #tpu.memory_space<vmem>> -> memref<1x128xi32, #tpu.memory_space<vmem>>
        %dma_start3A_101 = tpu.memref_squeeze %dma_start3A_100 : memref<1x128xi32, #tpu.memory_space<vmem>> -> memref<128xi32, #tpu.memory_space<vmem>>
        %dma_start3A_102 = arith.constant 0 : i32
        %dma_start3A_103 = arith.constant 0 : i32
        %dma_start3A_104 = tpu.memref_slice %arg6[%dma_start3A_102, %dma_start3A_103] : memref<10240x128xf32, #tpu.memory_space<vmem_shared>> -> memref<10240x128xf32, #tpu.memory_space<vmem_shared>>
        tpu.enqueue_indirect_dma source(%arg10 : memref<128x128xf32, #tpu.memory_space<vmem>>) target(%dma_start3A_104 : memref<10240x128xf32, #tpu.memory_space<vmem_shared>>) offsets(%dma_start3A_101 : memref<128xi32, #tpu.memory_space<vmem>>) semaphore(%run_scoped3A : memref<!tpu.dma_semaphore, #tpu.memory_space<semaphore_mem>>) {add = true}
        %dma_wait3A_105 = arith.constant 0 : i32
        %dma_wait3A_106 = tpu.memref_slice %arg8[%add3A_97, %dma_wait3A_105] : memref<40x128xi32, #tpu.memory_space<vmem>> -> memref<1x128xi32, #tpu.memory_space<vmem>>
        %dma_wait3A_107 = tpu.memref_squeeze %dma_wait3A_106 : memref<1x128xi32, #tpu.memory_space<vmem>> -> memref<128xi32, #tpu.memory_space<vmem>>
        %dma_wait3A_108 = arith.constant 0 : i32
        %dma_wait3A_109 = arith.constant 0 : i32
        %dma_wait3A_110 = tpu.memref_slice %arg6[%dma_wait3A_108, %dma_wait3A_109] : memref<10240x128xf32, #tpu.memory_space<vmem_shared>> -> memref<10240x128xf32, #tpu.memory_space<vmem_shared>>
        tpu.wait_indirect_dma semaphore(%run_scoped3A : memref<!tpu.dma_semaphore, #tpu.memory_space<semaphore_mem>>) src(%arg10 : memref<128x128xf32, #tpu.memory_space<vmem>>) dst(%dma_wait3A_110 : memref<10240x128xf32, #tpu.memory_space<vmem_shared>>)
        tpu.yield
      }) : () -> ()
      %scan3A_98 = arith.constant 0 : i32
      scf.yield %scan3A_98 : i32
    }
    %scan3A_61 = arith.constant 20 : i32
    %barrier3A_62 = arith.constant 0 : index
    tpu.barrier barrier_id(%barrier3A_62)
    %mul3A_63 = arith.constant 640 : i32
    %mul3A_64 = arith.muli %arg1, %mul3A_63 : i32
    %mul3A_65 = arith.constant 640 : i32
    %mul3A_66 = arith.muli %arg1, %mul3A_65 : i32
    "tpu.region"() ({
      %run_scoped3A = tpu.sem_alloc : memref<!tpu.dma_semaphore, #tpu.memory_space<semaphore_mem>>
      %dma_start3A_67 = arith.constant 0 : i32
      %dma_start3A_68 = tpu.memref_slice %arg5[%arg0, %mul3A_66, %dma_start3A_67] : memref<2x10240x128xf32, #tpu.memory_space<hbm>> -> memref<1x640x128xf32, #tpu.memory_space<hbm>>
      %dma_start3A_69 = tpu.memref_squeeze %dma_start3A_68 : memref<1x640x128xf32, #tpu.memory_space<hbm>> -> memref<640x128xf32, #tpu.memory_space<hbm>>
      %dma_start3A_70 = arith.constant 0 : i32
      %dma_start3A_71 = tpu.memref_slice %arg6[%mul3A_64, %dma_start3A_70] : memref<10240x128xf32, #tpu.memory_space<vmem_shared>> -> memref<640x128xf32, #tpu.memory_space<vmem_shared>>
      tpu.enqueue_dma source(%dma_start3A_71 : memref<640x128xf32, #tpu.memory_space<vmem_shared>>) target(%dma_start3A_69 : memref<640x128xf32, #tpu.memory_space<hbm>>) target_semaphore(%run_scoped3A : memref<!tpu.dma_semaphore, #tpu.memory_space<semaphore_mem>>)
      %dma_wait3A = arith.constant 0 : i32
      %dma_wait3A_72 = tpu.memref_slice %arg5[%arg0, %mul3A_66, %dma_wait3A] : memref<2x10240x128xf32, #tpu.memory_space<hbm>> -> memref<1x640x128xf32, #tpu.memory_space<hbm>>
      %dma_wait3A_73 = tpu.memref_squeeze %dma_wait3A_72 : memref<1x640x128xf32, #tpu.memory_space<hbm>> -> memref<640x128xf32, #tpu.memory_space<hbm>>
      %dma_wait3A_74 = arith.constant 0 : i32
      %dma_wait3A_75 = tpu.memref_slice %arg6[%mul3A_64, %dma_wait3A_74] : memref<10240x128xf32, #tpu.memory_space<vmem_shared>> -> memref<640x128xf32, #tpu.memory_space<vmem_shared>>
      tpu.wait_dma2 semaphore(%run_scoped3A : memref<!tpu.dma_semaphore, #tpu.memory_space<semaphore_mem>>) src(%dma_wait3A_75 : memref<640x128xf32, #tpu.memory_space<vmem_shared>>) dst(%dma_wait3A_73 : memref<640x128xf32, #tpu.memory_space<hbm>>)
      tpu.yield
    }) : () -> ()
    return
  }
}

#map = affine_map<(d0, d1) -> (0, 0)>
#map1 = affine_map<(d0, d1) -> (0, 0, 0)>
module attributes {stable_mosaic.version = 14 : i64} {
  func.func @agg(%arg0: i32, %arg1: i32, %arg2: memref<10240x128xf32, #tpu.memory_space<hbm>>, %arg3: memref<2560x128xi32, #tpu.memory_space<hbm>>, %arg4: memref<2560x128xi32, #tpu.memory_space<hbm>>, %arg5: memref<2x10240x128xf32, #tpu.memory_space<hbm>>, %arg6: memref<10240x128xf32, #tpu.memory_space<vmem_shared>>, %arg7: memref<40x128xi32, #tpu.memory_space<vmem>>, %arg8: memref<40x128xi32, #tpu.memory_space<vmem>>, %arg9: memref<128x128xf32, #tpu.memory_space<vmem>>, %arg10: memref<128x128xf32, #tpu.memory_space<vmem>>, %arg11: memref<!tpu.dma_semaphore, #tpu.memory_space<semaphore_mem>>, %arg12: memref<!tpu.dma_semaphore, #tpu.memory_space<semaphore_mem>>) attributes {dimension_semantics = [#tpu.dimension_semantics<core_parallel>, #tpu.dimension_semantics<subcore_parallel>], iteration_bounds = array<i64: 2, 16>, scalar_prefetch = 0 : i64, scratch_operands = 7 : i64, tpu.core_type = #tpu.core_type<sc_vector_subcore>, window_params = [{transform_indices = #map}, {transform_indices = #map}, {transform_indices = #map}, {transform_indices = #map1}]} {
    %mul3A = arith.constant 16 : i32
    %mul3A_0 = arith.muli %arg0, %mul3A : i32
    %add3A = arith.addi %mul3A_0, %arg1 : i32
    %scan3A = arith.constant 0 : i32
    %scan3A_1 = arith.constant 0 : i32
    %scan3A_2 = arith.constant 1024 : i32
    %scan3A_3 = arith.addi %scan3A_1, %scan3A_2 : i32
    %scan3A_4 = arith.constant 1 : i32
    %scan3A_5 = scf.for %scan3A_67 = %scan3A_1 to %scan3A_3 step %scan3A_4 iter_args(%scan3A_68 = %scan3A) -> (i32)  : i32 {
      %broadcast_in_dim3A = arith.constant 0.000000e+00 : f32
      %broadcast_in_dim3A_69 = vector.broadcast %broadcast_in_dim3A : f32 to vector<16xf32>
      %jit3A = arith.constant 8 : i32
      %div3A = arith.divsi %scan3A_67, %jit3A : i32
      %sign3A = arith.constant 0 : i32
      %sign3A_70 = arith.cmpi sgt, %scan3A_67, %sign3A : i32
      %sign3A_71 = arith.extui %sign3A_70 : i1 to i32
      %sign3A_72 = arith.constant 0 : i32
      %sign3A_73 = arith.cmpi slt, %scan3A_67, %sign3A_72 : i32
      %sign3A_74 = arith.extui %sign3A_73 : i1 to i32
      %sign3A_75 = arith.subi %sign3A_71, %sign3A_74 : i32
      %sign3A_76 = arith.constant 0 : i32
      %sign3A_77 = arith.cmpi sgt, %jit3A, %sign3A_76 : i32
      %sign3A_78 = arith.extui %sign3A_77 : i1 to i32
      %sign3A_79 = arith.constant 0 : i32
      %sign3A_80 = arith.cmpi slt, %jit3A, %sign3A_79 : i32
      %sign3A_81 = arith.extui %sign3A_80 : i1 to i32
      %sign3A_82 = arith.subi %sign3A_78, %sign3A_81 : i32
      %ne3A = arith.cmpi ne, %sign3A_75, %sign3A_82 : i32
      %rem3A = arith.remsi %scan3A_67, %jit3A : i32
      %ne3A_83 = arith.constant 0 : i32
      %ne3A_84 = arith.cmpi ne, %rem3A, %ne3A_83 : i32
      %and3A = arith.andi %ne3A, %ne3A_84 : i1
      %sub3A = arith.constant 1 : i32
      %sub3A_85 = arith.subi %div3A, %sub3A : i32
      %select_n3A = arith.select %and3A, %sub3A_85, %div3A : i32
      %jit3A_86 = arith.constant 8 : i32
      %eq3A = arith.constant 0 : i32
      %eq3A_87 = arith.cmpi eq, %jit3A_86, %eq3A : i32
      %jit3A_88 = arith.constant 1 : i32
      %select_n3A_89 = arith.select %eq3A_87, %jit3A_88, %jit3A_86 : i32
      %rem3A_90 = arith.remsi %scan3A_67, %select_n3A_89 : i32
      %ne3A_91 = arith.constant 0 : i32
      %ne3A_92 = arith.cmpi ne, %rem3A_90, %ne3A_91 : i32
      %lt3A = arith.constant 0 : i32
      %lt3A_93 = arith.cmpi slt, %rem3A_90, %lt3A : i32
      %lt3A_94 = arith.constant 0 : i32
      %lt3A_95 = arith.cmpi slt, %select_n3A_89, %lt3A_94 : i32
      %ne3A_96 = arith.xori %lt3A_93, %lt3A_95 : i1
      %and3A_97 = arith.andi %ne3A_96, %ne3A_92 : i1
      %add3A_98 = arith.addi %rem3A_90, %select_n3A_89 : i32
      %select_n3A_99 = arith.select %and3A_97, %add3A_98, %rem3A_90 : i32
      %mul3A_100 = arith.constant 16 : i32
      %mul3A_101 = arith.muli %select_n3A_99, %mul3A_100 : i32
      %swap3A = arith.index_cast %select_n3A : i32 to index
      %swap3A_102 = arith.index_cast %mul3A_101 : i32 to index
      %swap3A_103 = tpu.vector_load %arg9[%swap3A, %swap3A_102] {strides = array<i32>} : memref<128x128xf32, #tpu.memory_space<vmem>>, vector<1x16xf32>,
      %swap3A_104 = vector.shape_cast %swap3A_103 : vector<1x16xf32> to vector<16xf32>
      %swap3A_105 = vector.shape_cast %broadcast_in_dim3A_69 : vector<16xf32> to vector<1x16xf32>
      tpu.vector_store %arg9[%swap3A, %swap3A_102], %swap3A_105 {strides = array<i32>} : memref<128x128xf32, #tpu.memory_space<vmem>>, vector<1x16xf32>,
      %scan3A_106 = arith.constant 0 : i32
      scf.yield %scan3A_106 : i32
    }
    %scan3A_6 = arith.constant 1024 : i32
    %mul3A_7 = arith.constant 640 : i32
    %mul3A_8 = arith.muli %arg1, %mul3A_7 : i32
    %add3A_9 = arith.constant 0 : i32
    %add3A_10 = arith.addi %mul3A_8, %add3A_9 : i32
    "tpu.region"() ({
      %run_scoped3A = tpu.sem_alloc : memref<!tpu.dma_semaphore, #tpu.memory_space<semaphore_mem>>
      %dma_start3A_67 = arith.constant 0 : i32
      %dma_start3A_68 = tpu.memref_slice %arg6[%add3A_10, %dma_start3A_67] : memref<10240x128xf32, #tpu.memory_space<vmem_shared>> -> memref<128x128xf32, #tpu.memory_space<vmem_shared>>
      %dma_start3A_69 = arith.constant 0 : i32
      %dma_start3A_70 = tpu.memref_slice %arg6[%add3A_10, %dma_start3A_69] : memref<10240x128xf32, #tpu.memory_space<vmem_shared>> -> memref<128x128xf32, #tpu.memory_space<vmem_shared>>
      tpu.enqueue_dma source(%arg9 : memref<128x128xf32, #tpu.memory_space<vmem>>) target(%dma_start3A_70 : memref<128x128xf32, #tpu.memory_space<vmem_shared>>) target_semaphore(%run_scoped3A : memref<!tpu.dma_semaphore, #tpu.memory_space<semaphore_mem>>)
      %dma_wait3A = arith.constant 0 : i32
      %dma_wait3A_71 = tpu.memref_slice %arg6[%add3A_10, %dma_wait3A] : memref<10240x128xf32, #tpu.memory_space<vmem_shared>> -> memref<128x128xf32, #tpu.memory_space<vmem_shared>>
      %dma_wait3A_72 = arith.constant 0 : i32
      %dma_wait3A_73 = tpu.memref_slice %arg6[%add3A_10, %dma_wait3A_72] : memref<10240x128xf32, #tpu.memory_space<vmem_shared>> -> memref<128x128xf32, #tpu.memory_space<vmem_shared>>
      tpu.wait_dma2 semaphore(%run_scoped3A : memref<!tpu.dma_semaphore, #tpu.memory_space<semaphore_mem>>) src(%arg9 : memref<128x128xf32, #tpu.memory_space<vmem>>) dst(%dma_wait3A_73 : memref<128x128xf32, #tpu.memory_space<vmem_shared>>)
      tpu.yield
    }) : () -> ()
    %mul3A_11 = arith.constant 640 : i32
    %mul3A_12 = arith.muli %arg1, %mul3A_11 : i32
    %add3A_13 = arith.constant 128 : i32
    %add3A_14 = arith.addi %mul3A_12, %add3A_13 : i32
    "tpu.region"() ({
      %run_scoped3A = tpu.sem_alloc : memref<!tpu.dma_semaphore, #tpu.memory_space<semaphore_mem>>
      %dma_start3A_67 = arith.constant 0 : i32
      %dma_start3A_68 = tpu.memref_slice %arg6[%add3A_14, %dma_start3A_67] : memref<10240x128xf32, #tpu.memory_space<vmem_shared>> -> memref<128x128xf32, #tpu.memory_space<vmem_shared>>
      %dma_start3A_69 = arith.constant 0 : i32
      %dma_start3A_70 = tpu.memref_slice %arg6[%add3A_14, %dma_start3A_69] : memref<10240x128xf32, #tpu.memory_space<vmem_shared>> -> memref<128x128xf32, #tpu.memory_space<vmem_shared>>
      tpu.enqueue_dma source(%arg9 : memref<128x128xf32, #tpu.memory_space<vmem>>) target(%dma_start3A_70 : memref<128x128xf32, #tpu.memory_space<vmem_shared>>) target_semaphore(%run_scoped3A : memref<!tpu.dma_semaphore, #tpu.memory_space<semaphore_mem>>)
      %dma_wait3A = arith.constant 0 : i32
      %dma_wait3A_71 = tpu.memref_slice %arg6[%add3A_14, %dma_wait3A] : memref<10240x128xf32, #tpu.memory_space<vmem_shared>> -> memref<128x128xf32, #tpu.memory_space<vmem_shared>>
      %dma_wait3A_72 = arith.constant 0 : i32
      %dma_wait3A_73 = tpu.memref_slice %arg6[%add3A_14, %dma_wait3A_72] : memref<10240x128xf32, #tpu.memory_space<vmem_shared>> -> memref<128x128xf32, #tpu.memory_space<vmem_shared>>
      tpu.wait_dma2 semaphore(%run_scoped3A : memref<!tpu.dma_semaphore, #tpu.memory_space<semaphore_mem>>) src(%arg9 : memref<128x128xf32, #tpu.memory_space<vmem>>) dst(%dma_wait3A_73 : memref<128x128xf32, #tpu.memory_space<vmem_shared>>)
      tpu.yield
    }) : () -> ()
    %mul3A_15 = arith.constant 640 : i32
    %mul3A_16 = arith.muli %arg1, %mul3A_15 : i32
    %add3A_17 = arith.constant 256 : i32
    %add3A_18 = arith.addi %mul3A_16, %add3A_17 : i32
    "tpu.region"() ({
      %run_scoped3A = tpu.sem_alloc : memref<!tpu.dma_semaphore, #tpu.memory_space<semaphore_mem>>
      %dma_start3A_67 = arith.constant 0 : i32
      %dma_start3A_68 = tpu.memref_slice %arg6[%add3A_18, %dma_start3A_67] : memref<10240x128xf32, #tpu.memory_space<vmem_shared>> -> memref<128x128xf32, #tpu.memory_space<vmem_shared>>
      %dma_start3A_69 = arith.constant 0 : i32
      %dma_start3A_70 = tpu.memref_slice %arg6[%add3A_18, %dma_start3A_69] : memref<10240x128xf32, #tpu.memory_space<vmem_shared>> -> memref<128x128xf32, #tpu.memory_space<vmem_shared>>
      tpu.enqueue_dma source(%arg9 : memref<128x128xf32, #tpu.memory_space<vmem>>) target(%dma_start3A_70 : memref<128x128xf32, #tpu.memory_space<vmem_shared>>) target_semaphore(%run_scoped3A : memref<!tpu.dma_semaphore, #tpu.memory_space<semaphore_mem>>)
      %dma_wait3A = arith.constant 0 : i32
      %dma_wait3A_71 = tpu.memref_slice %arg6[%add3A_18, %dma_wait3A] : memref<10240x128xf32, #tpu.memory_space<vmem_shared>> -> memref<128x128xf32, #tpu.memory_space<vmem_shared>>
      %dma_wait3A_72 = arith.constant 0 : i32
      %dma_wait3A_73 = tpu.memref_slice %arg6[%add3A_18, %dma_wait3A_72] : memref<10240x128xf32, #tpu.memory_space<vmem_shared>> -> memref<128x128xf32, #tpu.memory_space<vmem_shared>>
      tpu.wait_dma2 semaphore(%run_scoped3A : memref<!tpu.dma_semaphore, #tpu.memory_space<semaphore_mem>>) src(%arg9 : memref<128x128xf32, #tpu.memory_space<vmem>>) dst(%dma_wait3A_73 : memref<128x128xf32, #tpu.memory_space<vmem_shared>>)
      tpu.yield
    }) : () -> ()
    %mul3A_19 = arith.constant 640 : i32
    %mul3A_20 = arith.muli %arg1, %mul3A_19 : i32
    %add3A_21 = arith.constant 384 : i32
    %add3A_22 = arith.addi %mul3A_20, %add3A_21 : i32
    "tpu.region"() ({
      %run_scoped3A = tpu.sem_alloc : memref<!tpu.dma_semaphore, #tpu.memory_space<semaphore_mem>>
      %dma_start3A_67 = arith.constant 0 : i32
      %dma_start3A_68 = tpu.memref_slice %arg6[%add3A_22, %dma_start3A_67] : memref<10240x128xf32, #tpu.memory_space<vmem_shared>> -> memref<128x128xf32, #tpu.memory_space<vmem_shared>>
      %dma_start3A_69 = arith.constant 0 : i32
      %dma_start3A_70 = tpu.memref_slice %arg6[%add3A_22, %dma_start3A_69] : memref<10240x128xf32, #tpu.memory_space<vmem_shared>> -> memref<128x128xf32, #tpu.memory_space<vmem_shared>>
      tpu.enqueue_dma source(%arg9 : memref<128x128xf32, #tpu.memory_space<vmem>>) target(%dma_start3A_70 : memref<128x128xf32, #tpu.memory_space<vmem_shared>>) target_semaphore(%run_scoped3A : memref<!tpu.dma_semaphore, #tpu.memory_space<semaphore_mem>>)
      %dma_wait3A = arith.constant 0 : i32
      %dma_wait3A_71 = tpu.memref_slice %arg6[%add3A_22, %dma_wait3A] : memref<10240x128xf32, #tpu.memory_space<vmem_shared>> -> memref<128x128xf32, #tpu.memory_space<vmem_shared>>
      %dma_wait3A_72 = arith.constant 0 : i32
      %dma_wait3A_73 = tpu.memref_slice %arg6[%add3A_22, %dma_wait3A_72] : memref<10240x128xf32, #tpu.memory_space<vmem_shared>> -> memref<128x128xf32, #tpu.memory_space<vmem_shared>>
      tpu.wait_dma2 semaphore(%run_scoped3A : memref<!tpu.dma_semaphore, #tpu.memory_space<semaphore_mem>>) src(%arg9 : memref<128x128xf32, #tpu.memory_space<vmem>>) dst(%dma_wait3A_73 : memref<128x128xf32, #tpu.memory_space<vmem_shared>>)
      tpu.yield
    }) : () -> ()
    %mul3A_23 = arith.constant 640 : i32
    %mul3A_24 = arith.muli %arg1, %mul3A_23 : i32
    %add3A_25 = arith.constant 512 : i32
    %add3A_26 = arith.addi %mul3A_24, %add3A_25 : i32
    "tpu.region"() ({
      %run_scoped3A = tpu.sem_alloc : memref<!tpu.dma_semaphore, #tpu.memory_space<semaphore_mem>>
      %dma_start3A_67 = arith.constant 0 : i32
      %dma_start3A_68 = tpu.memref_slice %arg6[%add3A_26, %dma_start3A_67] : memref<10240x128xf32, #tpu.memory_space<vmem_shared>> -> memref<128x128xf32, #tpu.memory_space<vmem_shared>>
      %dma_start3A_69 = arith.constant 0 : i32
      %dma_start3A_70 = tpu.memref_slice %arg6[%add3A_26, %dma_start3A_69] : memref<10240x128xf32, #tpu.memory_space<vmem_shared>> -> memref<128x128xf32, #tpu.memory_space<vmem_shared>>
      tpu.enqueue_dma source(%arg9 : memref<128x128xf32, #tpu.memory_space<vmem>>) target(%dma_start3A_70 : memref<128x128xf32, #tpu.memory_space<vmem_shared>>) target_semaphore(%run_scoped3A : memref<!tpu.dma_semaphore, #tpu.memory_space<semaphore_mem>>)
      %dma_wait3A = arith.constant 0 : i32
      %dma_wait3A_71 = tpu.memref_slice %arg6[%add3A_26, %dma_wait3A] : memref<10240x128xf32, #tpu.memory_space<vmem_shared>> -> memref<128x128xf32, #tpu.memory_space<vmem_shared>>
      %dma_wait3A_72 = arith.constant 0 : i32
      %dma_wait3A_73 = tpu.memref_slice %arg6[%add3A_26, %dma_wait3A_72] : memref<10240x128xf32, #tpu.memory_space<vmem_shared>> -> memref<128x128xf32, #tpu.memory_space<vmem_shared>>
      tpu.wait_dma2 semaphore(%run_scoped3A : memref<!tpu.dma_semaphore, #tpu.memory_space<semaphore_mem>>) src(%arg9 : memref<128x128xf32, #tpu.memory_space<vmem>>) dst(%dma_wait3A_73 : memref<128x128xf32, #tpu.memory_space<vmem_shared>>)
      tpu.yield
    }) : () -> ()
    %barrier3A = arith.constant 0 : index
    tpu.barrier barrier_id(%barrier3A)
    %mul3A_27 = arith.constant 80 : i32
    %mul3A_28 = arith.muli %add3A, %mul3A_27 : i32
    %add3A_29 = arith.constant 0 : i32
    %add3A_30 = arith.addi %mul3A_28, %add3A_29 : i32
    "tpu.region"() ({
      %run_scoped3A = tpu.sem_alloc : memref<!tpu.dma_semaphore, #tpu.memory_space<semaphore_mem>>
      %dma_start3A_67 = arith.constant 0 : i32
      %dma_start3A_68 = tpu.memref_slice %arg3[%add3A_30, %dma_start3A_67] : memref<2560x128xi32, #tpu.memory_space<hbm>> -> memref<40x128xi32, #tpu.memory_space<hbm>>
      %dma_start3A_69 = arith.constant 0 : i32
      %dma_start3A_70 = tpu.memref_slice %arg3[%add3A_30, %dma_start3A_69] : memref<2560x128xi32, #tpu.memory_space<hbm>> -> memref<40x128xi32, #tpu.memory_space<hbm>>
      tpu.enqueue_dma source(%dma_start3A_70 : memref<40x128xi32, #tpu.memory_space<hbm>>) target(%arg7 : memref<40x128xi32, #tpu.memory_space<vmem>>) target_semaphore(%run_scoped3A : memref<!tpu.dma_semaphore, #tpu.memory_space<semaphore_mem>>)
      %dma_wait3A = arith.constant 0 : i32
      %dma_wait3A_71 = tpu.memref_slice %arg3[%add3A_30, %dma_wait3A] : memref<2560x128xi32, #tpu.memory_space<hbm>> -> memref<40x128xi32, #tpu.memory_space<hbm>>
      %dma_wait3A_72 = arith.constant 0 : i32
      %dma_wait3A_73 = tpu.memref_slice %arg3[%add3A_30, %dma_wait3A_72] : memref<2560x128xi32, #tpu.memory_space<hbm>> -> memref<40x128xi32, #tpu.memory_space<hbm>>
      tpu.wait_dma2 semaphore(%run_scoped3A : memref<!tpu.dma_semaphore, #tpu.memory_space<semaphore_mem>>) src(%dma_wait3A_73 : memref<40x128xi32, #tpu.memory_space<hbm>>) dst(%arg7 : memref<40x128xi32, #tpu.memory_space<vmem>>)
      tpu.yield
    }) : () -> ()
    "tpu.region"() ({
      %run_scoped3A = tpu.sem_alloc : memref<!tpu.dma_semaphore, #tpu.memory_space<semaphore_mem>>
      %dma_start3A_67 = arith.constant 0 : i32
      %dma_start3A_68 = tpu.memref_slice %arg4[%add3A_30, %dma_start3A_67] : memref<2560x128xi32, #tpu.memory_space<hbm>> -> memref<40x128xi32, #tpu.memory_space<hbm>>
      %dma_start3A_69 = arith.constant 0 : i32
      %dma_start3A_70 = tpu.memref_slice %arg4[%add3A_30, %dma_start3A_69] : memref<2560x128xi32, #tpu.memory_space<hbm>> -> memref<40x128xi32, #tpu.memory_space<hbm>>
      tpu.enqueue_dma source(%dma_start3A_70 : memref<40x128xi32, #tpu.memory_space<hbm>>) target(%arg8 : memref<40x128xi32, #tpu.memory_space<vmem>>) target_semaphore(%run_scoped3A : memref<!tpu.dma_semaphore, #tpu.memory_space<semaphore_mem>>)
      %dma_wait3A = arith.constant 0 : i32
      %dma_wait3A_71 = tpu.memref_slice %arg4[%add3A_30, %dma_wait3A] : memref<2560x128xi32, #tpu.memory_space<hbm>> -> memref<40x128xi32, #tpu.memory_space<hbm>>
      %dma_wait3A_72 = arith.constant 0 : i32
      %dma_wait3A_73 = tpu.memref_slice %arg4[%add3A_30, %dma_wait3A_72] : memref<2560x128xi32, #tpu.memory_space<hbm>> -> memref<40x128xi32, #tpu.memory_space<hbm>>
      tpu.wait_dma2 semaphore(%run_scoped3A : memref<!tpu.dma_semaphore, #tpu.memory_space<semaphore_mem>>) src(%dma_wait3A_73 : memref<40x128xi32, #tpu.memory_space<hbm>>) dst(%arg8 : memref<40x128xi32, #tpu.memory_space<vmem>>)
      tpu.yield
    }) : () -> ()
    %dma_start3A = arith.constant 0 : i32
    %dma_start3A_31 = arith.constant 0 : i32
    %dma_start3A_32 = tpu.memref_slice %arg7[%dma_start3A, %dma_start3A_31] : memref<40x128xi32, #tpu.memory_space<vmem>> -> memref<1x128xi32, #tpu.memory_space<vmem>>
    %dma_start3A_33 = tpu.memref_squeeze %dma_start3A_32 : memref<1x128xi32, #tpu.memory_space<vmem>> -> memref<128xi32, #tpu.memory_space<vmem>>
    %dma_start3A_34 = arith.constant 0 : i32
    %dma_start3A_35 = arith.constant 0 : i32
    %dma_start3A_36 = tpu.memref_slice %arg2[%dma_start3A_34, %dma_start3A_35] : memref<10240x128xf32, #tpu.memory_space<hbm>> -> memref<10240x128xf32, #tpu.memory_space<hbm>>
    tpu.enqueue_indirect_dma source(%dma_start3A_36 : memref<10240x128xf32, #tpu.memory_space<hbm>>) target(%arg9 : memref<128x128xf32, #tpu.memory_space<vmem>>) offsets(%dma_start3A_33 : memref<128xi32, #tpu.memory_space<vmem>>) semaphore(%arg11 : memref<!tpu.dma_semaphore, #tpu.memory_space<semaphore_mem>>)
    %scan3A_37 = arith.constant 0 : i32
    %scan3A_38 = arith.constant 0 : i32
    %scan3A_39 = arith.constant 20 : i32
    %scan3A_40 = arith.addi %scan3A_38, %scan3A_39 : i32
    %scan3A_41 = arith.constant 1 : i32
    %scan3A_42 = scf.for %scan3A_67 = %scan3A_38 to %scan3A_40 step %scan3A_41 iter_args(%scan3A_68 = %scan3A_37) -> (i32)  : i32 {
      %mul3A_69 = arith.constant 2 : i32
      %mul3A_70 = arith.muli %mul3A_69, %scan3A_67 : i32
      %dma_wait3A = arith.constant 0 : i32
      %dma_wait3A_71 = tpu.memref_slice %arg7[%mul3A_70, %dma_wait3A] : memref<40x128xi32, #tpu.memory_space<vmem>> -> memref<1x128xi32, #tpu.memory_space<vmem>>
      %dma_wait3A_72 = tpu.memref_squeeze %dma_wait3A_71 : memref<1x128xi32, #tpu.memory_space<vmem>> -> memref<128xi32, #tpu.memory_space<vmem>>
      %dma_wait3A_73 = arith.constant 0 : i32
      %dma_wait3A_74 = arith.constant 0 : i32
      %dma_wait3A_75 = tpu.memref_slice %arg2[%dma_wait3A_73, %dma_wait3A_74] : memref<10240x128xf32, #tpu.memory_space<hbm>> -> memref<10240x128xf32, #tpu.memory_space<hbm>>
      tpu.wait_indirect_dma semaphore(%arg11 : memref<!tpu.dma_semaphore, #tpu.memory_space<semaphore_mem>>) src(%dma_wait3A_75 : memref<10240x128xf32, #tpu.memory_space<hbm>>) dst(%arg9 : memref<128x128xf32, #tpu.memory_space<vmem>>)
      %add3A_76 = arith.constant 1 : i32
      %add3A_77 = arith.addi %mul3A_70, %add3A_76 : i32
      %dma_start3A_78 = arith.constant 0 : i32
      %dma_start3A_79 = tpu.memref_slice %arg7[%add3A_77, %dma_start3A_78] : memref<40x128xi32, #tpu.memory_space<vmem>> -> memref<1x128xi32, #tpu.memory_space<vmem>>
      %dma_start3A_80 = tpu.memref_squeeze %dma_start3A_79 : memref<1x128xi32, #tpu.memory_space<vmem>> -> memref<128xi32, #tpu.memory_space<vmem>>
      %dma_start3A_81 = arith.constant 0 : i32
      %dma_start3A_82 = arith.constant 0 : i32
      %dma_start3A_83 = tpu.memref_slice %arg2[%dma_start3A_81, %dma_start3A_82] : memref<10240x128xf32, #tpu.memory_space<hbm>> -> memref<10240x128xf32, #tpu.memory_space<hbm>>
      tpu.enqueue_indirect_dma source(%dma_start3A_83 : memref<10240x128xf32, #tpu.memory_space<hbm>>) target(%arg10 : memref<128x128xf32, #tpu.memory_space<vmem>>) offsets(%dma_start3A_80 : memref<128xi32, #tpu.memory_space<vmem>>) semaphore(%arg12 : memref<!tpu.dma_semaphore, #tpu.memory_space<semaphore_mem>>)
      "tpu.region"() ({
        %run_scoped3A = tpu.sem_alloc : memref<!tpu.dma_semaphore, #tpu.memory_space<semaphore_mem>>
        %dma_start3A_99 = arith.constant 0 : i32
        %dma_start3A_100 = tpu.memref_slice %arg8[%mul3A_70, %dma_start3A_99] : memref<40x128xi32, #tpu.memory_space<vmem>> -> memref<1x128xi32, #tpu.memory_space<vmem>>
        %dma_start3A_101 = tpu.memref_squeeze %dma_start3A_100 : memref<1x128xi32, #tpu.memory_space<vmem>> -> memref<128xi32, #tpu.memory_space<vmem>>
        %dma_start3A_102 = arith.constant 0 : i32
        %dma_start3A_103 = arith.constant 0 : i32
        %dma_start3A_104 = tpu.memref_slice %arg6[%dma_start3A_102, %dma_start3A_103] : memref<10240x128xf32, #tpu.memory_space<vmem_shared>> -> memref<10240x128xf32, #tpu.memory_space<vmem_shared>>
        tpu.enqueue_indirect_dma source(%arg9 : memref<128x128xf32, #tpu.memory_space<vmem>>) target(%dma_start3A_104 : memref<10240x128xf32, #tpu.memory_space<vmem_shared>>) offsets(%dma_start3A_101 : memref<128xi32, #tpu.memory_space<vmem>>) semaphore(%run_scoped3A : memref<!tpu.dma_semaphore, #tpu.memory_space<semaphore_mem>>) {add = true}
        %dma_wait3A_105 = arith.constant 0 : i32
        %dma_wait3A_106 = tpu.memref_slice %arg8[%mul3A_70, %dma_wait3A_105] : memref<40x128xi32, #tpu.memory_space<vmem>> -> memref<1x128xi32, #tpu.memory_space<vmem>>
        %dma_wait3A_107 = tpu.memref_squeeze %dma_wait3A_106 : memref<1x128xi32, #tpu.memory_space<vmem>> -> memref<128xi32, #tpu.memory_space<vmem>>
        %dma_wait3A_108 = arith.constant 0 : i32
        %dma_wait3A_109 = arith.constant 0 : i32
        %dma_wait3A_110 = tpu.memref_slice %arg6[%dma_wait3A_108, %dma_wait3A_109] : memref<10240x128xf32, #tpu.memory_space<vmem_shared>> -> memref<10240x128xf32, #tpu.memory_space<vmem_shared>>
        tpu.wait_indirect_dma semaphore(%run_scoped3A : memref<!tpu.dma_semaphore, #tpu.memory_space<semaphore_mem>>) src(%arg9 : memref<128x128xf32, #tpu.memory_space<vmem>>) dst(%dma_wait3A_110 : memref<10240x128xf32, #tpu.memory_space<vmem_shared>>)
        tpu.yield
      }) : () -> ()
      %add3A_84 = arith.constant 2 : i32
      %add3A_85 = arith.addi %mul3A_70, %add3A_84 : i32
      %lt3A = arith.constant 40 : i32
      %lt3A_86 = arith.cmpi slt, %add3A_85, %lt3A : i32
      %convert_element_type3A = arith.extui %lt3A_86 : i1 to i32
      %cond3A = arith.constant 0 : i32
      %cond3A_87 = arith.cmpi ne, %convert_element_type3A, %cond3A : i32
      scf.if %cond3A_87 {
        %add3A_99 = arith.constant 2 : i32
        %add3A_100 = arith.addi %mul3A_70, %add3A_99 : i32
        %dma_start3A_101 = arith.constant 0 : i32
        %dma_start3A_102 = tpu.memref_slice %arg7[%add3A_100, %dma_start3A_101] : memref<40x128xi32, #tpu.memory_space<vmem>> -> memref<1x128xi32, #tpu.memory_space<vmem>>
        %dma_start3A_103 = tpu.memref_squeeze %dma_start3A_102 : memref<1x128xi32, #tpu.memory_space<vmem>> -> memref<128xi32, #tpu.memory_space<vmem>>
        %dma_start3A_104 = arith.constant 0 : i32
        %dma_start3A_105 = arith.constant 0 : i32
        %dma_start3A_106 = tpu.memref_slice %arg2[%dma_start3A_104, %dma_start3A_105] : memref<10240x128xf32, #tpu.memory_space<hbm>> -> memref<10240x128xf32, #tpu.memory_space<hbm>>
        tpu.enqueue_indirect_dma source(%dma_start3A_106 : memref<10240x128xf32, #tpu.memory_space<hbm>>) target(%arg9 : memref<128x128xf32, #tpu.memory_space<vmem>>) offsets(%dma_start3A_103 : memref<128xi32, #tpu.memory_space<vmem>>) semaphore(%arg11 : memref<!tpu.dma_semaphore, #tpu.memory_space<semaphore_mem>>)
      } else {
      }
      %add3A_88 = arith.constant 1 : i32
      %add3A_89 = arith.addi %mul3A_70, %add3A_88 : i32
      %dma_wait3A_90 = arith.constant 0 : i32
      %dma_wait3A_91 = tpu.memref_slice %arg7[%add3A_89, %dma_wait3A_90] : memref<40x128xi32, #tpu.memory_space<vmem>> -> memref<1x128xi32, #tpu.memory_space<vmem>>
      %dma_wait3A_92 = tpu.memref_squeeze %dma_wait3A_91 : memref<1x128xi32, #tpu.memory_space<vmem>> -> memref<128xi32, #tpu.memory_space<vmem>>
      %dma_wait3A_93 = arith.constant 0 : i32
      %dma_wait3A_94 = arith.constant 0 : i32
      %dma_wait3A_95 = tpu.memref_slice %arg2[%dma_wait3A_93, %dma_wait3A_94] : memref<10240x128xf32, #tpu.memory_space<hbm>> -> memref<10240x128xf32, #tpu.memory_space<hbm>>
      tpu.wait_indirect_dma semaphore(%arg12 : memref<!tpu.dma_semaphore, #tpu.memory_space<semaphore_mem>>) src(%dma_wait3A_95 : memref<10240x128xf32, #tpu.memory_space<hbm>>) dst(%arg10 : memref<128x128xf32, #tpu.memory_space<vmem>>)
      %add3A_96 = arith.constant 1 : i32
      %add3A_97 = arith.addi %mul3A_70, %add3A_96 : i32
      "tpu.region"() ({
        %run_scoped3A = tpu.sem_alloc : memref<!tpu.dma_semaphore, #tpu.memory_space<semaphore_mem>>
        %dma_start3A_99 = arith.constant 0 : i32
        %dma_start3A_100 = tpu.memref_slice %arg8[%add3A_97, %dma_start3A_99] : memref<40x128xi32, #tpu.memory_space<vmem>> -> memref<1x128xi32, #tpu.memory_space<vmem>>
        %dma_start3A_101 = tpu.memref_squeeze %dma_start3A_100 : memref<1x128xi32, #tpu.memory_space<vmem>> -> memref<128xi32, #tpu.memory_space<vmem>>
        %dma_start3A_102 = arith.constant 0 : i32
        %dma_start3A_103 = arith.constant 0 : i32
        %dma_start3A_104 = tpu.memref_slice %arg6[%dma_start3A_102, %dma_start3A_103] : memref<10240x128xf32, #tpu.memory_space<vmem_shared>> -> memref<10240x128xf32, #tpu.memory_space<vmem_shared>>
        tpu.enqueue_indirect_dma source(%arg10 : memref<128x128xf32, #tpu.memory_space<vmem>>) target(%dma_start3A_104 : memref<10240x128xf32, #tpu.memory_space<vmem_shared>>) offsets(%dma_start3A_101 : memref<128xi32, #tpu.memory_space<vmem>>) semaphore(%run_scoped3A : memref<!tpu.dma_semaphore, #tpu.memory_space<semaphore_mem>>) {add = true}
        %dma_wait3A_105 = arith.constant 0 : i32
        %dma_wait3A_106 = tpu.memref_slice %arg8[%add3A_97, %dma_wait3A_105] : memref<40x128xi32, #tpu.memory_space<vmem>> -> memref<1x128xi32, #tpu.memory_space<vmem>>
        %dma_wait3A_107 = tpu.memref_squeeze %dma_wait3A_106 : memref<1x128xi32, #tpu.memory_space<vmem>> -> memref<128xi32, #tpu.memory_space<vmem>>
        %dma_wait3A_108 = arith.constant 0 : i32
        %dma_wait3A_109 = arith.constant 0 : i32
        %dma_wait3A_110 = tpu.memref_slice %arg6[%dma_wait3A_108, %dma_wait3A_109] : memref<10240x128xf32, #tpu.memory_space<vmem_shared>> -> memref<10240x128xf32, #tpu.memory_space<vmem_shared>>
        tpu.wait_indirect_dma semaphore(%run_scoped3A : memref<!tpu.dma_semaphore, #tpu.memory_space<semaphore_mem>>) src(%arg10 : memref<128x128xf32, #tpu.memory_space<vmem>>) dst(%dma_wait3A_110 : memref<10240x128xf32, #tpu.memory_space<vmem_shared>>)
        tpu.yield
      }) : () -> ()
      %scan3A_98 = arith.constant 0 : i32
      scf.yield %scan3A_98 : i32
    }
    %scan3A_43 = arith.constant 20 : i32
    %mul3A_44 = arith.constant 80 : i32
    %mul3A_45 = arith.muli %add3A, %mul3A_44 : i32
    %add3A_46 = arith.constant 40 : i32
    %add3A_47 = arith.addi %mul3A_45, %add3A_46 : i32
    "tpu.region"() ({
      %run_scoped3A = tpu.sem_alloc : memref<!tpu.dma_semaphore, #tpu.memory_space<semaphore_mem>>
      %dma_start3A_67 = arith.constant 0 : i32
      %dma_start3A_68 = tpu.memref_slice %arg3[%add3A_47, %dma_start3A_67] : memref<2560x128xi32, #tpu.memory_space<hbm>> -> memref<40x128xi32, #tpu.memory_space<hbm>>
      %dma_start3A_69 = arith.constant 0 : i32
      %dma_start3A_70 = tpu.memref_slice %arg3[%add3A_47, %dma_start3A_69] : memref<2560x128xi32, #tpu.memory_space<hbm>> -> memref<40x128xi32, #tpu.memory_space<hbm>>
      tpu.enqueue_dma source(%dma_start3A_70 : memref<40x128xi32, #tpu.memory_space<hbm>>) target(%arg7 : memref<40x128xi32, #tpu.memory_space<vmem>>) target_semaphore(%run_scoped3A : memref<!tpu.dma_semaphore, #tpu.memory_space<semaphore_mem>>)
      %dma_wait3A = arith.constant 0 : i32
      %dma_wait3A_71 = tpu.memref_slice %arg3[%add3A_47, %dma_wait3A] : memref<2560x128xi32, #tpu.memory_space<hbm>> -> memref<40x128xi32, #tpu.memory_space<hbm>>
      %dma_wait3A_72 = arith.constant 0 : i32
      %dma_wait3A_73 = tpu.memref_slice %arg3[%add3A_47, %dma_wait3A_72] : memref<2560x128xi32, #tpu.memory_space<hbm>> -> memref<40x128xi32, #tpu.memory_space<hbm>>
      tpu.wait_dma2 semaphore(%run_scoped3A : memref<!tpu.dma_semaphore, #tpu.memory_space<semaphore_mem>>) src(%dma_wait3A_73 : memref<40x128xi32, #tpu.memory_space<hbm>>) dst(%arg7 : memref<40x128xi32, #tpu.memory_space<vmem>>)
      tpu.yield
    }) : () -> ()
    "tpu.region"() ({
      %run_scoped3A = tpu.sem_alloc : memref<!tpu.dma_semaphore, #tpu.memory_space<semaphore_mem>>
      %dma_start3A_67 = arith.constant 0 : i32
      %dma_start3A_68 = tpu.memref_slice %arg4[%add3A_47, %dma_start3A_67] : memref<2560x128xi32, #tpu.memory_space<hbm>> -> memref<40x128xi32, #tpu.memory_space<hbm>>
      %dma_start3A_69 = arith.constant 0 : i32
      %dma_start3A_70 = tpu.memref_slice %arg4[%add3A_47, %dma_start3A_69] : memref<2560x128xi32, #tpu.memory_space<hbm>> -> memref<40x128xi32, #tpu.memory_space<hbm>>
      tpu.enqueue_dma source(%dma_start3A_70 : memref<40x128xi32, #tpu.memory_space<hbm>>) target(%arg8 : memref<40x128xi32, #tpu.memory_space<vmem>>) target_semaphore(%run_scoped3A : memref<!tpu.dma_semaphore, #tpu.memory_space<semaphore_mem>>)
      %dma_wait3A = arith.constant 0 : i32
      %dma_wait3A_71 = tpu.memref_slice %arg4[%add3A_47, %dma_wait3A] : memref<2560x128xi32, #tpu.memory_space<hbm>> -> memref<40x128xi32, #tpu.memory_space<hbm>>
      %dma_wait3A_72 = arith.constant 0 : i32
      %dma_wait3A_73 = tpu.memref_slice %arg4[%add3A_47, %dma_wait3A_72] : memref<2560x128xi32, #tpu.memory_space<hbm>> -> memref<40x128xi32, #tpu.memory_space<hbm>>
      tpu.wait_dma2 semaphore(%run_scoped3A : memref<!tpu.dma_semaphore, #tpu.memory_space<semaphore_mem>>) src(%dma_wait3A_73 : memref<40x128xi32, #tpu.memory_space<hbm>>) dst(%arg8 : memref<40x128xi32, #tpu.memory_space<vmem>>)
      tpu.yield
    }) : () -> ()
    %dma_start3A_48 = arith.constant 0 : i32
    %dma_start3A_49 = arith.constant 0 : i32
    %dma_start3A_50 = tpu.memref_slice %arg7[%dma_start3A_48, %dma_start3A_49] : memref<40x128xi32, #tpu.memory_space<vmem>> -> memref<1x128xi32, #tpu.memory_space<vmem>>
    %dma_start3A_51 = tpu.memref_squeeze %dma_start3A_50 : memref<1x128xi32, #tpu.memory_space<vmem>> -> memref<128xi32, #tpu.memory_space<vmem>>
    %dma_start3A_52 = arith.constant 0 : i32
    %dma_start3A_53 = arith.constant 0 : i32
    %dma_start3A_54 = tpu.memref_slice %arg2[%dma_start3A_52, %dma_start3A_53] : memref<10240x128xf32, #tpu.memory_space<hbm>> -> memref<10240x128xf32, #tpu.memory_space<hbm>>
    tpu.enqueue_indirect_dma source(%dma_start3A_54 : memref<10240x128xf32, #tpu.memory_space<hbm>>) target(%arg9 : memref<128x128xf32, #tpu.memory_space<vmem>>) offsets(%dma_start3A_51 : memref<128xi32, #tpu.memory_space<vmem>>) semaphore(%arg11 : memref<!tpu.dma_semaphore, #tpu.memory_space<semaphore_mem>>)
    %scan3A_55 = arith.constant 0 : i32
    %scan3A_56 = arith.constant 0 : i32
    %scan3A_57 = arith.constant 20 : i32
    %scan3A_58 = arith.addi %scan3A_56, %scan3A_57 : i32
    %scan3A_59 = arith.constant 1 : i32
    %scan3A_60 = scf.for %scan3A_67 = %scan3A_56 to %scan3A_58 step %scan3A_59 iter_args(%scan3A_68 = %scan3A_55) -> (i32)  : i32 {
      %mul3A_69 = arith.constant 2 : i32
      %mul3A_70 = arith.muli %mul3A_69, %scan3A_67 : i32
      %dma_wait3A = arith.constant 0 : i32
      %dma_wait3A_71 = tpu.memref_slice %arg7[%mul3A_70, %dma_wait3A] : memref<40x128xi32, #tpu.memory_space<vmem>> -> memref<1x128xi32, #tpu.memory_space<vmem>>
      %dma_wait3A_72 = tpu.memref_squeeze %dma_wait3A_71 : memref<1x128xi32, #tpu.memory_space<vmem>> -> memref<128xi32, #tpu.memory_space<vmem>>
      %dma_wait3A_73 = arith.constant 0 : i32
      %dma_wait3A_74 = arith.constant 0 : i32
      %dma_wait3A_75 = tpu.memref_slice %arg2[%dma_wait3A_73, %dma_wait3A_74] : memref<10240x128xf32, #tpu.memory_space<hbm>> -> memref<10240x128xf32, #tpu.memory_space<hbm>>
      tpu.wait_indirect_dma semaphore(%arg11 : memref<!tpu.dma_semaphore, #tpu.memory_space<semaphore_mem>>) src(%dma_wait3A_75 : memref<10240x128xf32, #tpu.memory_space<hbm>>) dst(%arg9 : memref<128x128xf32, #tpu.memory_space<vmem>>)
      %add3A_76 = arith.constant 1 : i32
      %add3A_77 = arith.addi %mul3A_70, %add3A_76 : i32
      %dma_start3A_78 = arith.constant 0 : i32
      %dma_start3A_79 = tpu.memref_slice %arg7[%add3A_77, %dma_start3A_78] : memref<40x128xi32, #tpu.memory_space<vmem>> -> memref<1x128xi32, #tpu.memory_space<vmem>>
      %dma_start3A_80 = tpu.memref_squeeze %dma_start3A_79 : memref<1x128xi32, #tpu.memory_space<vmem>> -> memref<128xi32, #tpu.memory_space<vmem>>
      %dma_start3A_81 = arith.constant 0 : i32
      %dma_start3A_82 = arith.constant 0 : i32
      %dma_start3A_83 = tpu.memref_slice %arg2[%dma_start3A_81, %dma_start3A_82] : memref<10240x128xf32, #tpu.memory_space<hbm>> -> memref<10240x128xf32, #tpu.memory_space<hbm>>
      tpu.enqueue_indirect_dma source(%dma_start3A_83 : memref<10240x128xf32, #tpu.memory_space<hbm>>) target(%arg10 : memref<128x128xf32, #tpu.memory_space<vmem>>) offsets(%dma_start3A_80 : memref<128xi32, #tpu.memory_space<vmem>>) semaphore(%arg12 : memref<!tpu.dma_semaphore, #tpu.memory_space<semaphore_mem>>)
      "tpu.region"() ({
        %run_scoped3A = tpu.sem_alloc : memref<!tpu.dma_semaphore, #tpu.memory_space<semaphore_mem>>
        %dma_start3A_99 = arith.constant 0 : i32
        %dma_start3A_100 = tpu.memref_slice %arg8[%mul3A_70, %dma_start3A_99] : memref<40x128xi32, #tpu.memory_space<vmem>> -> memref<1x128xi32, #tpu.memory_space<vmem>>
        %dma_start3A_101 = tpu.memref_squeeze %dma_start3A_100 : memref<1x128xi32, #tpu.memory_space<vmem>> -> memref<128xi32, #tpu.memory_space<vmem>>
        %dma_start3A_102 = arith.constant 0 : i32
        %dma_start3A_103 = arith.constant 0 : i32
        %dma_start3A_104 = tpu.memref_slice %arg6[%dma_start3A_102, %dma_start3A_103] : memref<10240x128xf32, #tpu.memory_space<vmem_shared>> -> memref<10240x128xf32, #tpu.memory_space<vmem_shared>>
        tpu.enqueue_indirect_dma source(%arg9 : memref<128x128xf32, #tpu.memory_space<vmem>>) target(%dma_start3A_104 : memref<10240x128xf32, #tpu.memory_space<vmem_shared>>) offsets(%dma_start3A_101 : memref<128xi32, #tpu.memory_space<vmem>>) semaphore(%run_scoped3A : memref<!tpu.dma_semaphore, #tpu.memory_space<semaphore_mem>>) {add = true}
        %dma_wait3A_105 = arith.constant 0 : i32
        %dma_wait3A_106 = tpu.memref_slice %arg8[%mul3A_70, %dma_wait3A_105] : memref<40x128xi32, #tpu.memory_space<vmem>> -> memref<1x128xi32, #tpu.memory_space<vmem>>
        %dma_wait3A_107 = tpu.memref_squeeze %dma_wait3A_106 : memref<1x128xi32, #tpu.memory_space<vmem>> -> memref<128xi32, #tpu.memory_space<vmem>>
        %dma_wait3A_108 = arith.constant 0 : i32
        %dma_wait3A_109 = arith.constant 0 : i32
        %dma_wait3A_110 = tpu.memref_slice %arg6[%dma_wait3A_108, %dma_wait3A_109] : memref<10240x128xf32, #tpu.memory_space<vmem_shared>> -> memref<10240x128xf32, #tpu.memory_space<vmem_shared>>
        tpu.wait_indirect_dma semaphore(%run_scoped3A : memref<!tpu.dma_semaphore, #tpu.memory_space<semaphore_mem>>) src(%arg9 : memref<128x128xf32, #tpu.memory_space<vmem>>) dst(%dma_wait3A_110 : memref<10240x128xf32, #tpu.memory_space<vmem_shared>>)
        tpu.yield
      }) : () -> ()
      %add3A_84 = arith.constant 2 : i32
      %add3A_85 = arith.addi %mul3A_70, %add3A_84 : i32
      %lt3A = arith.constant 40 : i32
      %lt3A_86 = arith.cmpi slt, %add3A_85, %lt3A : i32
      %convert_element_type3A = arith.extui %lt3A_86 : i1 to i32
      %cond3A = arith.constant 0 : i32
      %cond3A_87 = arith.cmpi ne, %convert_element_type3A, %cond3A : i32
      scf.if %cond3A_87 {
        %add3A_99 = arith.constant 2 : i32
        %add3A_100 = arith.addi %mul3A_70, %add3A_99 : i32
        %dma_start3A_101 = arith.constant 0 : i32
        %dma_start3A_102 = tpu.memref_slice %arg7[%add3A_100, %dma_start3A_101] : memref<40x128xi32, #tpu.memory_space<vmem>> -> memref<1x128xi32, #tpu.memory_space<vmem>>
        %dma_start3A_103 = tpu.memref_squeeze %dma_start3A_102 : memref<1x128xi32, #tpu.memory_space<vmem>> -> memref<128xi32, #tpu.memory_space<vmem>>
        %dma_start3A_104 = arith.constant 0 : i32
        %dma_start3A_105 = arith.constant 0 : i32
        %dma_start3A_106 = tpu.memref_slice %arg2[%dma_start3A_104, %dma_start3A_105] : memref<10240x128xf32, #tpu.memory_space<hbm>> -> memref<10240x128xf32, #tpu.memory_space<hbm>>
        tpu.enqueue_indirect_dma source(%dma_start3A_106 : memref<10240x128xf32, #tpu.memory_space<hbm>>) target(%arg9 : memref<128x128xf32, #tpu.memory_space<vmem>>) offsets(%dma_start3A_103 : memref<128xi32, #tpu.memory_space<vmem>>) semaphore(%arg11 : memref<!tpu.dma_semaphore, #tpu.memory_space<semaphore_mem>>)
      } else {
      }
      %add3A_88 = arith.constant 1 : i32
      %add3A_89 = arith.addi %mul3A_70, %add3A_88 : i32
      %dma_wait3A_90 = arith.constant 0 : i32
      %dma_wait3A_91 = tpu.memref_slice %arg7[%add3A_89, %dma_wait3A_90] : memref<40x128xi32, #tpu.memory_space<vmem>> -> memref<1x128xi32, #tpu.memory_space<vmem>>
      %dma_wait3A_92 = tpu.memref_squeeze %dma_wait3A_91 : memref<1x128xi32, #tpu.memory_space<vmem>> -> memref<128xi32, #tpu.memory_space<vmem>>
      %dma_wait3A_93 = arith.constant 0 : i32
      %dma_wait3A_94 = arith.constant 0 : i32
      %dma_wait3A_95 = tpu.memref_slice %arg2[%dma_wait3A_93, %dma_wait3A_94] : memref<10240x128xf32, #tpu.memory_space<hbm>> -> memref<10240x128xf32, #tpu.memory_space<hbm>>
      tpu.wait_indirect_dma semaphore(%arg12 : memref<!tpu.dma_semaphore, #tpu.memory_space<semaphore_mem>>) src(%dma_wait3A_95 : memref<10240x128xf32, #tpu.memory_space<hbm>>) dst(%arg10 : memref<128x128xf32, #tpu.memory_space<vmem>>)
      %add3A_96 = arith.constant 1 : i32
      %add3A_97 = arith.addi %mul3A_70, %add3A_96 : i32
      "tpu.region"() ({
        %run_scoped3A = tpu.sem_alloc : memref<!tpu.dma_semaphore, #tpu.memory_space<semaphore_mem>>
        %dma_start3A_99 = arith.constant 0 : i32
        %dma_start3A_100 = tpu.memref_slice %arg8[%add3A_97, %dma_start3A_99] : memref<40x128xi32, #tpu.memory_space<vmem>> -> memref<1x128xi32, #tpu.memory_space<vmem>>
        %dma_start3A_101 = tpu.memref_squeeze %dma_start3A_100 : memref<1x128xi32, #tpu.memory_space<vmem>> -> memref<128xi32, #tpu.memory_space<vmem>>
        %dma_start3A_102 = arith.constant 0 : i32
        %dma_start3A_103 = arith.constant 0 : i32
        %dma_start3A_104 = tpu.memref_slice %arg6[%dma_start3A_102, %dma_start3A_103] : memref<10240x128xf32, #tpu.memory_space<vmem_shared>> -> memref<10240x128xf32, #tpu.memory_space<vmem_shared>>
        tpu.enqueue_indirect_dma source(%arg10 : memref<128x128xf32, #tpu.memory_space<vmem>>) target(%dma_start3A_104 : memref<10240x128xf32, #tpu.memory_space<vmem_shared>>) offsets(%dma_start3A_101 : memref<128xi32, #tpu.memory_space<vmem>>) semaphore(%run_scoped3A : memref<!tpu.dma_semaphore, #tpu.memory_space<semaphore_mem>>) {add = true}
        %dma_wait3A_105 = arith.constant 0 : i32
        %dma_wait3A_106 = tpu.memref_slice %arg8[%add3A_97, %dma_wait3A_105] : memref<40x128xi32, #tpu.memory_space<vmem>> -> memref<1x128xi32, #tpu.memory_space<vmem>>
        %dma_wait3A_107 = tpu.memref_squeeze %dma_wait3A_106 : memref<1x128xi32, #tpu.memory_space<vmem>> -> memref<128xi32, #tpu.memory_space<vmem>>
        %dma_wait3A_108 = arith.constant 0 : i32
        %dma_wait3A_109 = arith.constant 0 : i32
        %dma_wait3A_110 = tpu.memref_slice %arg6[%dma_wait3A_108, %dma_wait3A_109] : memref<10240x128xf32, #tpu.memory_space<vmem_shared>> -> memref<10240x128xf32, #tpu.memory_space<vmem_shared>>
        tpu.wait_indirect_dma semaphore(%run_scoped3A : memref<!tpu.dma_semaphore, #tpu.memory_space<semaphore_mem>>) src(%arg10 : memref<128x128xf32, #tpu.memory_space<vmem>>) dst(%dma_wait3A_110 : memref<10240x128xf32, #tpu.memory_space<vmem_shared>>)
        tpu.yield
      }) : () -> ()
      %scan3A_98 = arith.constant 0 : i32
      scf.yield %scan3A_98 : i32
    }
    %scan3A_61 = arith.constant 20 : i32
    %barrier3A_62 = arith.constant 0 : index
    tpu.barrier barrier_id(%barrier3A_62)
    %mul3A_63 = arith.constant 640 : i32
    %mul3A_64 = arith.muli %arg1, %mul3A_63 : i32
    %mul3A_65 = arith.constant 640 : i32
    %mul3A_66 = arith.muli %arg1, %mul3A_65 : i32
    "tpu.region"() ({
      %run_scoped3A = tpu.sem_alloc : memref<!tpu.dma_semaphore, #tpu.memory_space<semaphore_mem>>
      %dma_start3A_67 = arith.constant 0 : i32
      %dma_start3A_68 = tpu.memref_slice %arg5[%arg0, %mul3A_66, %dma_start3A_67] : memref<2x10240x128xf32, #tpu.memory_space<hbm>> -> memref<1x640x128xf32, #tpu.memory_space<hbm>>
      %dma_start3A_69 = tpu.memref_squeeze %dma_start3A_68 : memref<1x640x128xf32, #tpu.memory_space<hbm>> -> memref<640x128xf32, #tpu.memory_space<hbm>>
      %dma_start3A_70 = arith.constant 0 : i32
      %dma_start3A_71 = tpu.memref_slice %arg6[%mul3A_64, %dma_start3A_70] : memref<10240x128xf32, #tpu.memory_space<vmem_shared>> -> memref<640x128xf32, #tpu.memory_space<vmem_shared>>
      tpu.enqueue_dma source(%dma_start3A_71 : memref<640x128xf32, #tpu.memory_space<vmem_shared>>) target(%dma_start3A_69 : memref<640x128xf32, #tpu.memory_space<hbm>>) target_semaphore(%run_scoped3A : memref<!tpu.dma_semaphore, #tpu.memory_space<semaphore_mem>>)
      %dma_wait3A = arith.constant 0 : i32
      %dma_wait3A_72 = tpu.memref_slice %arg5[%arg0, %mul3A_66, %dma_wait3A] : memref<2x10240x128xf32, #tpu.memory_space<hbm>> -> memref<1x640x128xf32, #tpu.memory_space<hbm>>
      %dma_wait3A_73 = tpu.memref_squeeze %dma_wait3A_72 : memref<1x640x128xf32, #tpu.memory_space<hbm>> -> memref<640x128xf32, #tpu.memory_space<hbm>>
      %dma_wait3A_74 = arith.constant 0 : i32
      %dma_wait3A_75 = tpu.memref_slice %arg6[%mul3A_64, %dma_wait3A_74] : memref<10240x128xf32, #tpu.memory_space<vmem_shared>> -> memref<640x128xf32, #tpu.memory_space<vmem_shared>>
      tpu.wait_dma2 semaphore(%run_scoped3A : memref<!tpu.dma_semaphore, #tpu.memory_space<semaphore_mem>>) src(%dma_wait3A_75 : memref<640x128xf32, #tpu.memory_space<vmem_shared>>) dst(%dma_wait3A_73 : memref<640x128xf32, #tpu.memory_space<hbm>>)
      tpu.yield
    }) : () -> ()
    return
  }
}

module attributes {stable_mosaic.version = 14 : i64} {
  func.func @_dinv_body(%arg0: memref<2x10240xf32, #tpu.memory_space<vmem>>, %arg1: memref<1x10240xf32, #tpu.memory_space<vmem>>) attributes {dimension_semantics = [], scalar_prefetch = 0 : i64, scratch_operands = 0 : i64, tpu.core_type = #tpu.core_type<tc>} {
    %get3A = arith.constant 0 : index
    %get3A_0 = arith.constant 0 : index
    %get3A_1 = vector.load %arg0[%get3A, %get3A_0] : memref<2x10240xf32, #tpu.memory_space<vmem>>, vector<1x10240xf32>
    %get3A_2 = arith.constant 1 : index
    %get3A_3 = arith.constant 0 : index
    %get3A_4 = vector.load %arg0[%get3A_2, %get3A_3] : memref<2x10240xf32, #tpu.memory_space<vmem>>, vector<1x10240xf32>
    %add3A = arith.addf %get3A_1, %get3A_4 : vector<1x10240xf32>
    %iota3A = tpu.iota {dimensions = array<i32: 1>} : vector<1x10240xi32>
    %lt3A = arith.constant 10000 : i32
    %lt3A_5 = vector.broadcast %lt3A : i32 to vector<1x10240xi32>
    %lt3A_6 = arith.cmpi slt, %iota3A, %lt3A_5 : vector<1x10240xi32>
    %max3A = arith.constant 1.000000e+00 : f32
    %max3A_7 = vector.broadcast %max3A : f32 to vector<1x10240xf32>
    %max3A_8 = arith.maximumf %add3A, %max3A_7 : vector<1x10240xf32>
    %rsqrt3A = math.rsqrt %max3A_8 : vector<1x10240xf32>
    %jit3A = arith.constant 0.000000e+00 : f32
    %broadcast_in_dim3A = vector.broadcast %jit3A : f32 to vector<1x10240xf32>
    %select_n3A = arith.select %lt3A_6, %rsqrt3A, %broadcast_in_dim3A : vector<1x10240xi1>, vector<1x10240xf32>
    %swap3A = arith.constant 0 : index
    %swap3A_9 = arith.constant 0 : index
    %swap3A_10 = vector.load %arg1[%swap3A, %swap3A_9] : memref<1x10240xf32, #tpu.memory_space<vmem>>, vector<1x10240xf32>
    tpu.vector_store %arg1[%swap3A, %swap3A_9], %select_n3A {strides = array<i32>} : memref<1x10240xf32, #tpu.memory_space<vmem>>, vector<1x10240xf32>,
    return
  }
}

module attributes {stable_mosaic.version = 14 : i64} {
  func.func @_mm1_body(%arg0: i32, %arg1: memref<512x128xf32, #tpu.memory_space<vmem>>, %arg2: memref<128x128xf32, #tpu.memory_space<vmem>>, %arg3: memref<512x1xf32, #tpu.memory_space<vmem>>, %arg4: memref<512x128xf32, #tpu.memory_space<vmem>>) attributes {dimension_semantics = [#tpu.dimension_semantics<arbitrary>], iteration_bounds = array<i64: 20>, scalar_prefetch = 0 : i64, scratch_operands = 0 : i64, tpu.core_type = #tpu.core_type<tc>, window_params = [{transform_indices = @transform_0, window_bounds = array<i64: 512, 128>}, {pipeline_mode = #tpu.pipeline_mode<synchronous>, transform_indices = @transform_1, window_bounds = array<i64: 128, 128>}, {transform_indices = @transform_2, window_bounds = array<i64: 512, 1>}, {transform_indices = @transform_3, window_bounds = array<i64: 512, 128>}]} {
    %get3A = arith.constant 0 : index
    %get3A_0 = arith.constant 0 : index
    %get3A_1 = vector.load %arg3[%get3A, %get3A_0] : memref<512x1xf32, #tpu.memory_space<vmem>>, vector<512x1xf32>
    %get3A_2 = arith.constant 0 : index
    %get3A_3 = arith.constant 0 : index
    %get3A_4 = vector.load %arg1[%get3A_2, %get3A_3] : memref<512x128xf32, #tpu.memory_space<vmem>>, vector<512x128xf32>
    %get3A_5 = arith.constant 0 : index
    %get3A_6 = arith.constant 0 : index
    %get3A_7 = vector.load %arg2[%get3A_5, %get3A_6] : memref<128x128xf32, #tpu.memory_space<vmem>>, vector<128x128xf32>
    %dot_general3A = arith.constant dense<0.000000e+00> : vector<512x128xf32>
    %dot_general3A_8 = tpu.matmul %get3A_4, %get3A_7, %dot_general3A {dimension_numbers = #tpu.dot_dimension_numbers<[1], [0], [0], [1], [0, 0, 1, 1], [], []>, transpose_lhs_hint = false} : vector<512x128xf32>, vector<128x128xf32>, vector<512x128xf32> -> vector<512x128xf32>
    %mul3A = vector.broadcast %get3A_1 : vector<512x1xf32> to vector<512x128xf32>
    %mul3A_9 = arith.mulf %mul3A, %dot_general3A_8 : vector<512x128xf32>
    %swap3A = arith.constant 0 : index
    %swap3A_10 = arith.constant 0 : index
    %swap3A_11 = vector.load %arg4[%swap3A, %swap3A_10] : memref<512x128xf32, #tpu.memory_space<vmem>>, vector<512x128xf32>
    tpu.vector_store %arg4[%swap3A, %swap3A_10], %mul3A_9 {strides = array<i32>} : memref<512x128xf32, #tpu.memory_space<vmem>>, vector<512x128xf32>,
    return
  }
  func.func @transform_0(%arg0: i32) -> (i32, i32) {
    %c0_i32 = arith.constant 0 : i32
    %c0_i32_0 = arith.constant 0 : i32
    return %arg0, %c0_i32 : i32, i32
  }
  func.func @transform_1(%arg0: i32) -> (i32, i32) {
    %c0_i32 = arith.constant 0 : i32
    %c0_i32_0 = arith.constant 0 : i32
    %c0_i32_1 = arith.constant 0 : i32
    return %c0_i32, %c0_i32_0 : i32, i32
  }
  func.func @transform_2(%arg0: i32) -> (i32, i32) {
    %c0_i32 = arith.constant 0 : i32
    %c0_i32_0 = arith.constant 0 : i32
    return %arg0, %c0_i32 : i32, i32
  }
  func.func @transform_3(%arg0: i32) -> (i32, i32) {
    %c0_i32 = arith.constant 0 : i32
    %c0_i32_0 = arith.constant 0 : i32
    return %arg0, %c0_i32 : i32, i32
  }
}

module attributes {stable_mosaic.version = 14 : i64} {
  func.func @_mid_body(%arg0: i32, %arg1: memref<2x512x128xf32, #tpu.memory_space<vmem>>, %arg2: memref<512x1xf32, #tpu.memory_space<vmem>>, %arg3: memref<1x128xf32, #tpu.memory_space<vmem>>, %arg4: memref<128x128xf32, #tpu.memory_space<vmem>>, %arg5: memref<512x128xf32, #tpu.memory_space<vmem>>) attributes {dimension_semantics = [#tpu.dimension_semantics<arbitrary>], iteration_bounds = array<i64: 20>, scalar_prefetch = 0 : i64, scratch_operands = 0 : i64, tpu.core_type = #tpu.core_type<tc>, window_params = [{transform_indices = @transform_0, window_bounds = array<i64: 2, 512, 128>}, {transform_indices = @transform_1, window_bounds = array<i64: 512, 1>}, {pipeline_mode = #tpu.pipeline_mode<synchronous>, transform_indices = @transform_2, window_bounds = array<i64: 1, 128>}, {pipeline_mode = #tpu.pipeline_mode<synchronous>, transform_indices = @transform_3, window_bounds = array<i64: 128, 128>}, {transform_indices = @transform_4, window_bounds = array<i64: 512, 128>}]} {
    %get3A = arith.constant 0 : index
    %get3A_0 = arith.constant 0 : index
    %get3A_1 = arith.constant 0 : index
    %get3A_2 = vector.load %arg1[%get3A, %get3A_0, %get3A_1] : memref<2x512x128xf32, #tpu.memory_space<vmem>>, vector<1x512x128xf32>
    %get3A_3 = vector.shape_cast %get3A_2 : vector<1x512x128xf32> to vector<512x128xf32>
    %get3A_4 = arith.constant 1 : index
    %get3A_5 = arith.constant 0 : index
    %get3A_6 = arith.constant 0 : index
    %get3A_7 = vector.load %arg1[%get3A_4, %get3A_5, %get3A_6] : memref<2x512x128xf32, #tpu.memory_space<vmem>>, vector<1x512x128xf32>
    %get3A_8 = vector.shape_cast %get3A_7 : vector<1x512x128xf32> to vector<512x128xf32>
    %add3A = arith.addf %get3A_3, %get3A_8 : vector<512x128xf32>
    %get3A_9 = arith.constant 0 : index
    %get3A_10 = arith.constant 0 : index
    %get3A_11 = vector.load %arg2[%get3A_9, %get3A_10] : memref<512x1xf32, #tpu.memory_space<vmem>>, vector<512x1xf32>
    %mul3A = vector.broadcast %get3A_11 : vector<512x1xf32> to vector<512x128xf32>
    %mul3A_12 = arith.mulf %add3A, %mul3A : vector<512x128xf32>
    %get3A_13 = arith.constant 0 : index
    %get3A_14 = arith.constant 0 : index
    %get3A_15 = vector.load %arg3[%get3A_13, %get3A_14] : memref<1x128xf32, #tpu.memory_space<vmem>>, vector<1x128xf32>
    %add3A_16 = vector.broadcast %get3A_15 : vector<1x128xf32> to vector<512x128xf32>
    %add3A_17 = arith.addf %mul3A_12, %add3A_16 : vector<512x128xf32>
    %max3A = arith.constant 0.000000e+00 : f32
    %max3A_18 = vector.broadcast %max3A : f32 to vector<512x128xf32>
    %max3A_19 = arith.maximumf %add3A_17, %max3A_18 : vector<512x128xf32>
    %get3A_20 = arith.constant 0 : index
    %get3A_21 = arith.constant 0 : index
    %get3A_22 = vector.load %arg2[%get3A_20, %get3A_21] : memref<512x1xf32, #tpu.memory_space<vmem>>, vector<512x1xf32>
    %get3A_23 = arith.constant 0 : index
    %get3A_24 = arith.constant 0 : index
    %get3A_25 = vector.load %arg4[%get3A_23, %get3A_24] : memref<128x128xf32, #tpu.memory_space<vmem>>, vector<128x128xf32>
    %dot_general3A = arith.constant dense<0.000000e+00> : vector<512x128xf32>
    %dot_general3A_26 = tpu.matmul %max3A_19, %get3A_25, %dot_general3A {dimension_numbers = #tpu.dot_dimension_numbers<[1], [0], [0], [1], [0, 0, 1, 1], [], []>, transpose_lhs_hint = false} : vector<512x128xf32>, vector<128x128xf32>, vector<512x128xf32> -> vector<512x128xf32>
    %mul3A_27 = vector.broadcast %get3A_22 : vector<512x1xf32> to vector<512x128xf32>
    %mul3A_28 = arith.mulf %mul3A_27, %dot_general3A_26 : vector<512x128xf32>
    %swap3A = arith.constant 0 : index
    %swap3A_29 = arith.constant 0 : index
    %swap3A_30 = vector.load %arg5[%swap3A, %swap3A_29] : memref<512x128xf32, #tpu.memory_space<vmem>>, vector<512x128xf32>
    tpu.vector_store %arg5[%swap3A, %swap3A_29], %mul3A_28 {strides = array<i32>} : memref<512x128xf32, #tpu.memory_space<vmem>>, vector<512x128xf32>,
    return
  }
  func.func @transform_0(%arg0: i32) -> (i32, i32, i32) {
    %c0_i32 = arith.constant 0 : i32
    %c0_i32_0 = arith.constant 0 : i32
    %c0_i32_1 = arith.constant 0 : i32
    return %c0_i32, %arg0, %c0_i32_0 : i32, i32, i32
  }
  func.func @transform_1(%arg0: i32) -> (i32, i32) {
    %c0_i32 = arith.constant 0 : i32
    %c0_i32_0 = arith.constant 0 : i32
    return %arg0, %c0_i32 : i32, i32
  }
  func.func @transform_2(%arg0: i32) -> (i32, i32) {
    %c0_i32 = arith.constant 0 : i32
    %c0_i32_0 = arith.constant 0 : i32
    %c0_i32_1 = arith.constant 0 : i32
    return %c0_i32, %c0_i32_0 : i32, i32
  }
  func.func @transform_3(%arg0: i32) -> (i32, i32) {
    %c0_i32 = arith.constant 0 : i32
    %c0_i32_0 = arith.constant 0 : i32
    %c0_i32_1 = arith.constant 0 : i32
    return %c0_i32, %c0_i32_0 : i32, i32
  }
  func.func @transform_4(%arg0: i32) -> (i32, i32) {
    %c0_i32 = arith.constant 0 : i32
    %c0_i32_0 = arith.constant 0 : i32
    return %arg0, %c0_i32 : i32, i32
  }
}

module attributes {stable_mosaic.version = 14 : i64} {
  func.func @_out_body(%arg0: i32, %arg1: memref<2x400x128xf32, #tpu.memory_space<vmem>>, %arg2: memref<400x1xf32, #tpu.memory_space<vmem>>, %arg3: memref<1x128xf32, #tpu.memory_space<vmem>>, %arg4: memref<400x128xf32, #tpu.memory_space<vmem>>) attributes {dimension_semantics = [#tpu.dimension_semantics<arbitrary>], iteration_bounds = array<i64: 25>, scalar_prefetch = 0 : i64, scratch_operands = 0 : i64, tpu.core_type = #tpu.core_type<tc>, window_params = [{transform_indices = @transform_0, window_bounds = array<i64: 2, 400, 128>}, {transform_indices = @transform_1, window_bounds = array<i64: 400, 1>}, {pipeline_mode = #tpu.pipeline_mode<synchronous>, transform_indices = @transform_2, window_bounds = array<i64: 1, 128>}, {transform_indices = @transform_3, window_bounds = array<i64: 400, 128>}]} {
    %get3A = arith.constant 0 : index
    %get3A_0 = arith.constant 0 : index
    %get3A_1 = arith.constant 0 : index
    %get3A_2 = vector.load %arg1[%get3A, %get3A_0, %get3A_1] : memref<2x400x128xf32, #tpu.memory_space<vmem>>, vector<1x400x128xf32>
    %get3A_3 = vector.shape_cast %get3A_2 : vector<1x400x128xf32> to vector<400x128xf32>
    %get3A_4 = arith.constant 1 : index
    %get3A_5 = arith.constant 0 : index
    %get3A_6 = arith.constant 0 : index
    %get3A_7 = vector.load %arg1[%get3A_4, %get3A_5, %get3A_6] : memref<2x400x128xf32, #tpu.memory_space<vmem>>, vector<1x400x128xf32>
    %get3A_8 = vector.shape_cast %get3A_7 : vector<1x400x128xf32> to vector<400x128xf32>
    %add3A = arith.addf %get3A_3, %get3A_8 : vector<400x128xf32>
    %get3A_9 = arith.constant 0 : index
    %get3A_10 = arith.constant 0 : index
    %get3A_11 = vector.load %arg2[%get3A_9, %get3A_10] : memref<400x1xf32, #tpu.memory_space<vmem>>, vector<400x1xf32>
    %mul3A = vector.broadcast %get3A_11 : vector<400x1xf32> to vector<400x128xf32>
    %mul3A_12 = arith.mulf %add3A, %mul3A : vector<400x128xf32>
    %get3A_13 = arith.constant 0 : index
    %get3A_14 = arith.constant 0 : index
    %get3A_15 = vector.load %arg3[%get3A_13, %get3A_14] : memref<1x128xf32, #tpu.memory_space<vmem>>, vector<1x128xf32>
    %add3A_16 = vector.broadcast %get3A_15 : vector<1x128xf32> to vector<400x128xf32>
    %add3A_17 = arith.addf %mul3A_12, %add3A_16 : vector<400x128xf32>
    %swap3A = arith.constant 0 : index
    %swap3A_18 = arith.constant 0 : index
    %swap3A_19 = vector.load %arg4[%swap3A, %swap3A_18] : memref<400x128xf32, #tpu.memory_space<vmem>>, vector<400x128xf32>
    tpu.vector_store %arg4[%swap3A, %swap3A_18], %add3A_17 {strides = array<i32>} : memref<400x128xf32, #tpu.memory_space<vmem>>, vector<400x128xf32>,
    return
  }
  func.func @transform_0(%arg0: i32) -> (i32, i32, i32) {
    %c0_i32 = arith.constant 0 : i32
    %c0_i32_0 = arith.constant 0 : i32
    %c0_i32_1 = arith.constant 0 : i32
    return %c0_i32, %arg0, %c0_i32_0 : i32, i32, i32
  }
  func.func @transform_1(%arg0: i32) -> (i32, i32) {
    %c0_i32 = arith.constant 0 : i32
    %c0_i32_0 = arith.constant 0 : i32
    return %arg0, %c0_i32 : i32, i32
  }
  func.func @transform_2(%arg0: i32) -> (i32, i32) {
    %c0_i32 = arith.constant 0 : i32
    %c0_i32_0 = arith.constant 0 : i32
    %c0_i32_1 = arith.constant 0 : i32
    return %c0_i32, %c0_i32_0 : i32, i32
  }
  func.func @transform_3(%arg0: i32) -> (i32, i32) {
    %c0_i32 = arith.constant 0 : i32
    %c0_i32_0 = arith.constant 0 : i32
    return %arg0, %c0_i32 : i32, i32
  }
}

</mosaic_0001>

<sc_bundles>
// kernel: kernel.12.cloned.1.call-start
scs
__scs_entry_jumppad:
0x0: {  	(pc) =	sbr.rel $0x88, $3  }
0x1: {  	(tag) =	ssettag $0x0;
	lr =	simm.s32 $0x1  }
0x2: {  	[smem:$0x3F9B] =	sst lr;
	_ =	strace $0xD0000000  }
0x3: {  	_ = 	snop  }
0x4: {  	_ = 	snop  }
0x5: {  	_ = 	snop  }
0x6: {  	_ = 	snop  }
0x7: {  	_ = 	snop  }
__scs_overlays_trampoline_lowered:
0x8: {  	[smem:$0x3FAA] =	sst s0  }
0x9: {  	[smem:$0x3FAB] =	sst s1  }
0xa: {  	[smem:$0x3FAC] =	sst s2  }
0xb: {  	[smem:$0x3FAD] =	sst s3  }
0xc: {  	[smem:$0x3FAE] =	sst s4  }
0xd: {  	[smem:$0x3FAF] =	sst s5  }
0xe: {  	[smem:$0x3FB0] =	sst s6  }
0xf: {  	[smem:$0x3FB1] =	sst s7  }
0x10: {  	[smem:$0x3FB2] =	sst s8  }
0x11: {  	[smem:$0x3FB3] =	sst s9;
	s0 =	simm.s32 @!p0 $0x0  }
0x12: {  	s1 =	sld [smem:$0x3F99];
	s0 =	simm.s32 @p0 $0x1  }
0x13: {  	[smem:$0x3FB4] =	sst s0;
	s0 =	simm.s32 @!p1 $0x0  }
0x14: {  	s2 =	sld [smem:$0x3F98];
	s0 =	simm.s32 @p1 $0x1  }
0x15: {  	[smem:$0x3FB5] =	sst s0;
	s0 =	simm.s32 @!p2 $0x0  }
0x16: {  	s3 =	sld [smem:$0x3FDB];
	s0 =	simm.s32 @p2 $0x1  }
0x17: {  	s4 =	simm.s32 $0x1BF5;
	[smem:$0x3FB7] =	sst s0  }
0x18: {  	s0 =	sld [smem:$0x3F9A];
	_ =	swait.ge [sflag:s4], $0x0  }
0x19: {  	s7 =	sld [smem:$0x3F9B]  }
0x1a: {  	s8 =	sadd.s32 $0xFFFFE003, lr  }
0x1b: {  	s9 =	sadd.s32 $0xFFFFFEF7, lr;
	s5 =	simm.s32 $0xFFFFFFFF;
	p2 =	slt.u32 s8, $0xFFFFF086  }
0x1c: {  	p1 =	slt.u32 s9, $0xF7A;
	s5 =	simm.s32 @!p2 $0x0  }
0x1d: {  	s5 =	simm.s32 @p1 $0x1;
	p0 =	seq.s32 s7, s2  }
0x1e: {  	s7 =	smul.u32 @!p0 $0xF7A, s2;
	p2 =	seq.s32 @!p0 s5, $0x0  }
0x1f: {  	s9 =	smul.u32 $0xF7A, s1;
	s8 =	simm.s32 @!p0 $0x1BF5;
	p2 =	por !p2, p0  }
0x20: {  	[sflag:s8] =	ssyncset.s32 @!p0 $0xFFFFF086;
	s6 =	sadd.s32 @!p0 s3, s7;
	s7 =	simm.s32 @!p0 $0x108  }
0x21: {  	s3 =	sadd.s32 s3, s9;
	s6 =	sadd.s32 @!p0 $0x88, s6;
	s7 =	simm.s32 @p2 $0x1082  }
0x22: {  	[simem:s7], [sflag:s8] =	dma.local @!p0 [hbm:s6], $0xF7A  }
0x23: {  	s9 =	sor.u32 $0xD0000000, s2;
	s6 =	simm.s32 $0x108;
	_ =	swait.ge @!p0 [sflag:s8], $0x0  }
0x24: {  	s3 =	sadd.s32 $0x88, s3;
	s6 =	simm.s32 @!p1 $0x1082;
	[sflag:s4] =	ssyncset.s32 $0xFFFFF086  }
0x25: {  	[simem:s6], [sflag:s4] =	dma.local [hbm:s3], $0xF7A  }
0x26: {  	[smem:$0x3F9B] =	sst s1;
	(tag) =	ssettag s2;
	_ =	strace s9  }
0x27: {  	s1 =	sld [smem:$0x3FAB]  }
0x28: {  	s2 =	sld [smem:$0x3FAC]  }
0x29: {  	s4 =	sld [smem:$0x3FAE]  }
0x2a: {  	p0 =	seq.s32 s5, $0x0;
	s5 =	sld [smem:$0x3FAF]  }
0x2b: {  	s6 =	sld [smem:$0x3FB0]  }
0x2c: {  	s7 =	sld [smem:$0x3FB1]  }
0x2d: {  	s3 =	simm.s32 $0x108;
	s8 =	sld [smem:$0x3FB2]  }
0x2e: {  	s3 =	simm.s32 @!p0 $0x1082;
	s9 =	sld [smem:$0x3FB3]  }
0x2f: {  	lr =	sadd.s32 s0, s3;
	s0 =	sld [smem:$0x3FAA]  }
0x30: {  	s3 =	sld [smem:$0x3FAD]  }
0x31: {  	[smem:$0x3FB6] =	sst s10  }
0x32: {  	s10 =	sld [smem:$0x3FB4];
	_ =	sdelay $0x3  }
0x33: {  	p0 =	seq.s32 s10, $0x1;
	s10 =	sld [smem:$0x3FB6];
	_ =	sdelay $0x3  }
0x34: {  	[smem:$0x3FB6] =	sst s10  }
0x35: {  	s10 =	sld [smem:$0x3FB5];
	_ =	sdelay $0x3  }
0x36: {  	p1 =	seq.s32 s10, $0x1;
	s10 =	sld [smem:$0x3FB6];
	_ =	sdelay $0x3  }
0x37: {  	[smem:$0x3FB6] =	sst s10  }
0x38: {  	s10 =	sld [smem:$0x3FB7]  }
0x39: {  	_ = 	snop;
	(pc) =	sbr.ind lr, $3  }
0x3a: {  	_ = 	snop  }
0x3b: {  	_ = 	snop  }
0x3c: {  	p2 =	seq.s32 s10, $0x1;
	s10 =	sld [smem:$0x3FB6]  }
0x3d: {  	_ =	shalt  }
0x3e: {  	_ =	shalt  }
0x3f: {  	_ =	shalt  }
0x40: {  	_ =	shalt  }
0x41: {  	_ =	shalt  }
0x42: {  	_ =	shalt  }
0x43: {  	_ =	shalt  }
0x44: {  	_ =	shalt  }
0x45: {  	_ =	shalt  }
0x46: {  	_ =	shalt  }
0x47: {  	_ =	shalt  }
0x48: {  	_ =	shalt  }
0x49: {  	_ =	shalt  }
0x4a: {  	_ =	shalt  }
0x4b: {  	_ =	shalt  }
0x4c: {  	_ =	shalt  }
0x4d: {  	_ =	shalt  }
0x4e: {  	_ =	shalt  }
0x4f: {  	_ =	shalt  }
0x50: {  	_ =	shalt  }
0x51: {  	_ =	shalt  }
0x52: {  	_ =	shalt  }
0x53: {  	_ =	shalt  }
0x54: {  	_ =	shalt  }
0x55: {  	_ =	shalt  }
0x56: {  	_ =	shalt  }
0x57: {  	_ =	shalt  }
0x58: {  	_ =	shalt  }
0x59: {  	_ =	shalt  }
0x5a: {  	_ =	shalt  }
0x5b: {  	_ =	shalt  }
0x5c: {  	_ =	shalt  }
0x5d: {  	_ =	shalt  }
0x5e: {  	_ =	shalt  }
0x5f: {  	_ =	shalt  }
0x60: {  	_ =	shalt  }
0x61: {  	_ =	shalt  }
0x62: {  	_ =	shalt  }
0x63: {  	_ =	shalt  }
0x64: {  	_ =	shalt  }
0x65: {  	_ =	shalt  }
0x66: {  	_ =	shalt  }
0x67: {  	_ =	shalt  }
0x68: {  	_ =	shalt  }
0x69: {  	_ =	shalt  }
0x6a: {  	_ =	shalt  }
0x6b: {  	_ =	shalt  }
0x6c: {  	_ =	shalt  }
0x6d: {  	_ =	shalt  }
0x6e: {  	_ =	shalt  }
0x6f: {  	_ =	shalt  }
0x70: {  	_ =	shalt  }
0x71: {  	_ =	shalt  }
0x72: {  	_ =	shalt  }
0x73: {  	_ =	shalt  }
0x74: {  	_ =	shalt  }
0x75: {  	_ =	shalt  }
0x76: {  	_ =	shalt  }
0x77: {  	_ =	shalt  }
0x78: {  	_ =	shalt  }
0x79: {  	_ =	shalt  }
0x7a: {  	_ =	shalt  }
0x7b: {  	_ =	shalt  }
0x7c: {  	_ =	shalt  }
0x7d: {  	_ =	shalt  }
0x7e: {  	_ =	shalt  }
0x7f: {  	_ =	shalt  }
0x80: {  	_ =	shalt  }
0x81: {  	_ =	shalt  }
0x82: {  	_ =	shalt  }
0x83: {  	_ =	shalt  }
0x84: {  	_ =	shalt  }
0x85: {  	_ =	shalt  }
0x86: {  	_ =	shalt  }
0x87: {  	_ =	shalt  }
.Lfunc_end0:
.L_simem_size_0:
called_computation.1_lowered:
.L_overlay_start_0:
0x88: {  	s2 =	sld [smem:$0x3FD9]  }
0x89: {  	s3 =	sld [smem:$0x3FFE];
	_ =	sdelay $0x1  }
0x8a: {  	s1 =	srdreg.scid  }
0x8b: {  	s0 =	sand.u32 $0x1, s1  }
0x8c: {  	s17 =	sshll.u32 s0, $0xA;
	s2 =	sadd.s32 s3, s2  }
0x8d: {  	s2 =	sadd.s32 s2, s17  }
0x8e: {  	[smem:$0x3FC2] =	sst s2  }
0x8f: {  	_ = 	snop  }
0x90: {  	s2 =	sld [smem:$0x3FD0];
	(tm) =	ssettm $0x1  }
0x91: {  	s18 =	sld [smem:$0x3FFB];
	_ =	sdelay $0x3  }
0x92: {  	_ =	strace s18  }
0x93: {  	s3 =	sld [smem:$0x3FFC];
	_ =	sdelay $0x3  }
0x94: {  	_ =	strace s3  }
0x95: {  	s3 =	sld [smem:$0x3FFD];
	_ =	sdelay $0x3  }
0x96: {  	_ =	strace s3  }
0x97: {  	_ =	strace $0x8FFFFFFF  }
0x98: {  	s19 =	sld [smem:$0x3FDB];
	_ =	sdelay $0x1  }
0x99: {  	s4 =	simm.s32 $_scs_section_size  }
0x9a: {  	s5 =	simm.s32 $_size__tile_overlayer_lowered;
	s6 =	simm.s32 $_tile_overlayer_lowered  }
0x9b: {  	s22 =	simm.s32 $0x1BFF;
	s21 =	sshll.u32 s6, $0x1;
	s3 =	sadd.s32 s4, s19  }
0x9c: {  	s7 =	simm.s32 $0x0;
	s20 =	sshll.u32 s5, $0x1;
	s5 =	sadd.s32 s21, s3  }
0x9d: {  	[timem:s7], [sflag:s22] =	dma.local [hbm:s5], s20  }
0x9e: {  	_ =	swait.ge [sflag:s22], s20  }
0x9f: {  	s4 =	ssub.s32 $0x0, s20;
	[sflag:s22] =	ssyncset.done $0x0  }
0xa0: {  	[sflag:s22] =	ssyncadd.s32 s4;
	_ =	sdelay $0x1  }
0xa1: {  	s23 =	simm.s32 $0x1B8B  }
0xa2: {  	_ =	swait.ge [sflag:s23], $0x1  }
0xa3: {  	[sflag:s23] =	ssyncset.done $0x0  }
0xa4: {  	s25 =	simm.s32 $0x1B8E;
	s24 =	sld [smem:$0x3FFE];
	[sflag:s23] =	ssyncadd.s32 $0xFFFFFFFF  }
0xa5: {  	s26 =	simm.s32 $execute0_lowered;
	[smem:$0x3FD2] =	sst s25  }
0xa6: {  	s5 =	sshll.u32 s26, $0x1;
	_ =	strace $0x80000049;
	[dreg:$0x1] =	wrdreg $0xFFFFFFFF  }
0xa7: {  	s28 =	simm.s32 $_size_execute0_lowered;
	s3 =	sadd.s32 s3, s5;
	[dreg:$0x0] =	wrdreg $0x0  }
0xa8: {  	s5 =	sshll.u32 s28, $0x1;
	[dreg:$0x2] =	wrdreg s3  }
0xa9: {  	[dreg:$0x3] =	wrdreg s5  }
0xaa: {  	[dreg:$0x4] =	wrdreg $0xC0  }
0xab: {  	_ =	task [dreg:s7], $0x5FFFF  }
0xac: {  	[dreg:$0x1] =	wrdreg $0xFFFFFFFF  }
0xad: {  	[dreg:$0x0] =	wrdreg $0x60  }
0xae: {  	[dreg:$0x2] =	wrdreg s24  }
0xaf: {  	[dreg:$0x3] =	wrdreg s2  }
0xb0: {  	[dreg:$0x4] =	wrdreg $0x0  }
0xb1: {  	[dreg:$0x5] =	wrdreg $0x9  }
0xb2: {  	_ =	task.clear_ibuf [dreg:s7], $0x6FFFF;
	_ =	strace $0x90000049  }
0xb3: {  	s29 =	simm.s32 $0x9;
	_ =	strace $0x8000004B  }
0xb4: {  	_ =	swait.ge [sflag:s29], $0x1  }
0xb5: {  	[sflag:s29] =	ssyncadd.s32 $0xFFFFFFFF  }
0xb6: {  	_ =	strace $0x9000004B  }
0xb7: {  	_ =	sfence  }
0xb8: {  	s30 =	sld [smem:$0x0];
	_ =	sdelay $0x2  }
0xb9: {  	s31 =	sshll.u32 s1, $0xD;
	s1 =	sshrl.u32 s1, $0x2  }
0xba: {  	s3 =	sand.u32 $0x4000, s31;
	s1 =	sadd.s32 s1, s30  }
0xbb: {  	s0 =	sor.u32 s3, s0;
	s1 =	sshll.u32 s1, $0x11  }
0xbc: {  	s0 =	sor.u32 s1, s0  }
0xbd: {  	s0 =	sadd.s32 $0x8F2B, s0  }
0xbe: {  	[sflag:s0] =	ssyncadd.remote.s32 $0x1  }
0xbf: {  	_ =	sfence.sel $0xFFFF  }
0xc0: {  	[dreg:$0x0] =	wrdreg $0xFFFFFFFF;
	(pc) =	sbr.abs _section_cstart, $3  }
0xc1: {  	[dreg:$0x1] =	wrdreg $0xFFFFFFFF  }
0xc2: {  	_ =	task.clear_ibuf [dreg:s7], $0x2FFFF;
	_ =	strace $0x9FFFFFFF  }
0xc3: {  	(tm) =	ssettm $0x7FFFFFFF  }
tec
execute0_lowered:
.L_overlay_start_1:
0x0: {  	(tag) =	ssettag $0x1  }
0x1: {  	s6 =	rddreg [dreg:$0x0]  }
0x2: {  	s13 =	rddreg [dreg:$0x1]  }
0x3: {  	s1 =	rddreg [dreg:$0x2];
	s2 =	srdreg.scid;
	s3 =	simm.s32 $0x0  }
0x4: {  	s18 =	simm.s32 $0x14000;
	s19 =	simm.s32 $0x15400;
	s20 =	simm.s32 $0x80  }
0x5: {  	s21 =	simm.s32 $0x1;
	s22 =	simm.s32 $0x1A800;
	s23 =	simm.s32 $0x2  }
0x6: {  	s24 =	simm.s32 $0x15380;
	s25 =	simm.s32 $0x16700;
	s28 =	simm.s32 $0x0  }
0x7: {  	s5 =	sand.u32 $0x1, s2;
	s2 =	stileid.u32;
	[smem:$0x7FF] =	sst s3  }
0x8: {  	s4 =	sadd.s32 $0xC000, s6;
	s12 =	sadd.s32 $0x2000, s6;
	s7 =	smul.u32 $0x140000, s5  }
0x9: {  	s8 =	smul.u32 $0x14000, s2;
	_ =	strace $0x8000004A;
	s9 =	sshll.u32 s5, $0x4  }
0xa: {  	s26 =	smul.u32 $0x50000, s2;
	s10 =	ssub.s32 $0x2, s5;
	s9 =	sor.u32 s2, s9  }
0xb: {  	s30 =	sshrl.u32 s10, $0x1;
	s7 =	sadd.s32 s8, s7;
	s11 =	smul.u32 $0x2800, s9  }
0xc: {  	s29 =	sshrl.u32 s26, $0x2;
	s15 =	ssub.s32 s10, s30;
	s16 =	smul.u32 $0x500, s9  }
0xd: {  	s26 =	simm.s32 $0x16780;
	s7 =	sshrl.u32 s7, $0x3;
	s5 =	sadd.s32 s29, s1  }
0xe: {  	s15 =	smax.u32 s15, $0x1;
	s14 =	sadd.s32 s7, s6;
	s6 =	sadd.s32 $0x4000, s5  }
0xf: {  	s7 =	sadd.s32 $0x8000, s5;
	s31 =	sshrl.u32 s11, $0x3;
	s8 =	sadd.s32 $0xC000, s5  }
0x10: {  	s9 =	sadd.s32 $0x10000, s5;
	s10 =	sadd.s32 s12, s16;
	s11 =	sadd.s32 s13, s16  }
0x11: {  	s16 =	simm.s32 $0x16800;
	s17 =	sadd.s32 $0x280, s31;
	s14 =	sadd.s32 $0x34000, s14  }
0x12: {  	v0 =	vimm.f32 $0.0e+00;
	s12 =	sadd.s32 s12, s17;
	s13 =	sadd.s32 s13, s17;
	s17 =	simm.s32 $0x3  }
.LBB2_1:
0x13: {  	s29 =	sand.u32 $0xFE00, s3  }
0x14: {  	s30 =	sand.u32 $0x70, s3;
	s31 =	sshrl.u32 s29, $0x2  }
0x15: {  	s29 =	simm.s32 $0x40;
	s31 =	sor.u32 s30, s31;
	s30 =	simm.s32 $0x0  }
.LBB2_2:
0x16: {  	p0 =	sne.s32 s29, $0xFFC0  }
0x17: {  	[tilespmem:s31+$0x16800] =	vst v0;
	s30 =	sadd.s32 $0x10, s30;
	s31 =	smov.u32 s29;
	s29 =	sadd.s32 $0x40, s29  }
.Ltmp0:
0x18: {  	(pc) =	sbr.rel @p0 .LBB2_2-.Ltmp0, $4  }
0x19: {  	_ = 	snop  }
0x1a: {  	s31 =	sand.u32 $0xFE00, s31  }
0x1b: {  	s0 =	sand.u32 $0x70, s30;
	s31 =	sshrl.u32 s31, $0x2  }
0x1c: {  	s31 =	sor.u32 s0, s31  }
0x1d: {  	[tilespmem:s31+$0x16800] =	vst v0  }
0x1e: {  	[spmem:s5] =	stream.linear.scatter [tilespmem:s16], [sflag:$0x3], $0x4000, $0x38;
	[tilespmem:$0x1E800] =	vst v63  }
0x1f: {  	_ =	swait.ge [sflag:s17], $0x4000  }
0x20: {  	[sflag:s17] =	ssyncset.done $0x0  }
0x21: {  	[sflag:s17] =	ssyncadd.s32 $0xFFFFC000  }
0x22: {  	[spmem:s6] =	stream.linear.scatter [tilespmem:s16], [sflag:$0x3], $0x4000, $0x38;
	[tilespmem:$0x1E800] =	vst v63  }
0x23: {  	_ =	swait.ge [sflag:s17], $0x4000  }
0x24: {  	[sflag:s17] =	ssyncset.done $0x0  }
0x25: {  	[sflag:s17] =	ssyncadd.s32 $0xFFFFC000  }
0x26: {  	[spmem:s7] =	stream.linear.scatter [tilespmem:s16], [sflag:$0x3], $0x4000, $0x38;
	[tilespmem:$0x1E800] =	vst v63  }
0x27: {  	_ =	swait.ge [sflag:s17], $0x4000  }
0x28: {  	[sflag:s17] =	ssyncset.done $0x0  }
0x29: {  	[sflag:s17] =	ssyncadd.s32 $0xFFFFC000  }
0x2a: {  	[spmem:s8] =	stream.linear.scatter [tilespmem:s16], [sflag:$0x3], $0x4000, $0x38;
	[tilespmem:$0x1E800] =	vst v63  }
0x2b: {  	_ =	swait.ge [sflag:s17], $0x4000  }
0x2c: {  	[sflag:s17] =	ssyncset.done $0x0  }
0x2d: {  	[sflag:s17] =	ssyncadd.s32 $0xFFFFC000  }
0x2e: {  	[spmem:s9] =	stream.linear.scatter [tilespmem:s16], [sflag:$0x3], $0x4000, $0x38;
	[tilespmem:$0x1E800] =	vst v63  }
0x2f: {  	_ =	swait.ge [sflag:s17], $0x4000  }
0x30: {  	[sflag:s17] =	ssyncset.done $0x0  }
0x31: {  	[sflag:s17] =	ssyncadd.s32 $0xFFFFC000  }
0x32: {  	s0 =	simm.s32 $0x0;
	[bflag:$0x0] =	sbarrier.arrive $0xFFFF  }
0x33: {  	[tilespmem:s18], [sflag:$0x3] =	stream.linear.gather [hbm4b:s10+s0], $0x1400, $0x38;
	[tilespmem:$0x1E800] =	vst v63  }
0x34: {  	_ =	swait.ge [sflag:s17], $0x1400  }
0x35: {  	[sflag:s17] =	ssyncset.done $0x0  }
0x36: {  	[sflag:s17] =	ssyncadd.s32 $0xFFFFEC00  }
0x37: {  	[tilespmem:s19], [sflag:$0x3] =	stream.linear.gather [hbm4b:s11+s0], $0x1400, $0x38;
	[tilespmem:$0x1E800] =	vst v63  }
0x38: {  	_ =	swait.ge [sflag:s17], $0x1400  }
0x39: {  	[sflag:s17] =	ssyncset.done $0x0  }
0x3a: {  	[sflag:s17] =	ssyncadd.s32 $0xFFFFEC00  }
0x3b: {  	[tilespmem:s16], [sflag:$0x1] =	stream.indirect.gather [hbm4b:s4+s20], $0x80, s18, s20, $0xb8;
	[tilespmem:$0x1E800] =	vst v63  }
0x3c: {  	_ =	swait.ge [sflag:s21], $0x4000  }
0x3d: {  	[sflag:s21] =	ssyncset.done $0x0  }
0x3e: {  	s30 =	simm.s32 $0x14080;
	[sflag:s21] =	ssyncadd.s32 $0xFFFFC000  }
0x3f: {  	[tilespmem:s22], [sflag:$0x2] =	stream.indirect.gather [hbm4b:s4+s20], $0x80, s30, s20, $0xb8;
	[tilespmem:$0x1E800] =	vst v63  }
0x40: {  	s31 =	simm.s32 $0x15400  }
0x41: {  	[spmem:s1] =	stream.indirect.scatter.add.f32 [tilespmem:s16], [sflag:$0x3], $0x80, s31, s20, $0xb8;
	[tilespmem:$0x1E800] =	vst v63  }
0x42: {  	_ =	swait.ge [sflag:s17], $0x4000  }
0x43: {  	[sflag:s17] =	ssyncset.done $0x0  }
0x44: {  	s30 =	simm.s32 $0x14100;
	[sflag:s17] =	ssyncadd.s32 $0xFFFFC000  }
0x45: {  	[tilespmem:s16], [sflag:$0x1] =	stream.indirect.gather [hbm4b:s4+s20], $0x80, s30, s20, $0xb8;
	[tilespmem:$0x1E800] =	vst v63  }
0x46: {  	_ =	swait.ge [sflag:s23], $0x4000  }
0x47: {  	[sflag:s23] =	ssyncset.done $0x0  }
0x48: {  	s31 =	simm.s32 $0x15480;
	[sflag:s23] =	ssyncadd.s32 $0xFFFFC000  }
0x49: {  	[spmem:s1] =	stream.indirect.scatter.add.f32 [tilespmem:s22], [sflag:$0x3], $0x80, s31, s20, $0xb8;
	[tilespmem:$0x1E800] =	vst v63  }
0x4a: {  	_ =	swait.ge [sflag:s17], $0x4000  }
0x4b: {  	s29 =	simm.s32 $0x400;
	[sflag:s17] =	ssyncset.done $0x0  }
.LBB2_4:
0x4c: {  	p0 =	sne.s32 s29, $0x4800  }
0x4d: {  	[sflag:s17] =	ssyncadd.s32 $0xFFFFC000;
	s0 =	smov.u32 s29;
	s29 =	sadd.s32 $0x400, s29  }
0x4e: {  	_ =	swait.ge [sflag:s21], $0x4000  }
0x4f: {  	s0 =	sshra.s32 s0, $0x2;
	[sflag:s21] =	ssyncset.done $0x0  }
0x50: {  	s30 =	sadd.s32 $0x14080, s0;
	[sflag:s21] =	ssyncadd.s32 $0xFFFFC000  }
0x51: {  	[tilespmem:s22], [sflag:$0x2] =	stream.indirect.gather [hbm4b:s4+s20], $0x80, s30, s20, $0xb8;
	[tilespmem:$0x1E800] =	vst v63  }
0x52: {  	s30 =	sadd.s32 $0x15400, s0  }
0x53: {  	[spmem:s1] =	stream.indirect.scatter.add.f32 [tilespmem:s16], [sflag:$0x3], $0x80, s30, s20, $0xb8;
	[tilespmem:$0x1E800] =	vst v63  }
0x54: {  	_ =	swait.ge [sflag:s17], $0x4000  }
0x55: {  	[sflag:s17] =	ssyncset.done $0x0  }
0x56: {  	s30 =	sadd.s32 $0x14100, s0;
	[sflag:s17] =	ssyncadd.s32 $0xFFFFC000  }
0x57: {  	[tilespmem:s16], [sflag:$0x1] =	stream.indirect.gather [hbm4b:s4+s20], $0x80, s30, s20, $0xb8;
	[tilespmem:$0x1E800] =	vst v63  }
0x58: {  	_ =	swait.ge [sflag:s23], $0x4000  }
.Ltmp1:
0x59: {  	[sflag:s23] =	ssyncset.done $0x0;
	(pc) =	sbr.rel @p0 .LBB2_4-.Ltmp1, $4  }
0x5a: {  	s0 =	sadd.s32 $0x15480, s0;
	[sflag:s23] =	ssyncadd.s32 $0xFFFFC000  }
0x5b: {  	[spmem:s1] =	stream.indirect.scatter.add.f32 [tilespmem:s22], [sflag:$0x3], $0x80, s0, s20, $0xb8;
	[tilespmem:$0x1E800] =	vst v63  }
0x5c: {  	_ =	swait.ge [sflag:s17], $0x4000  }
0x5d: {  	[sflag:s17] =	ssyncset.done $0x0  }
0x5e: {  	[sflag:s17] =	ssyncadd.s32 $0xFFFFC000  }
0x5f: {  	_ =	swait.ge [sflag:s21], $0x4000  }
0x60: {  	[sflag:s21] =	ssyncset.done $0x0  }
0x61: {  	[sflag:s21] =	ssyncadd.s32 $0xFFFFC000  }
0x62: {  	[tilespmem:s22], [sflag:$0x2] =	stream.indirect.gather [hbm4b:s4+s20], $0x80, s24, s20, $0xb8;
	[tilespmem:$0x1E800] =	vst v63  }
0x63: {  	_ = 	snop  }
0x64: {  	[spmem:s1] =	stream.indirect.scatter.add.f32 [tilespmem:s16], [sflag:$0x3], $0x80, s25, s20, $0xb8;
	[tilespmem:$0x1E800] =	vst v63  }
0x65: {  	_ =	swait.ge [sflag:s17], $0x4000  }
0x66: {  	[sflag:s17] =	ssyncset.done $0x0  }
0x67: {  	[sflag:s17] =	ssyncadd.s32 $0xFFFFC000  }
0x68: {  	_ =	swait.ge [sflag:s23], $0x4000  }
0x69: {  	[sflag:s23] =	ssyncset.done $0x0  }
0x6a: {  	[sflag:s23] =	ssyncadd.s32 $0xFFFFC000  }
0x6b: {  	[spmem:s1] =	stream.indirect.scatter.add.f32 [tilespmem:s22], [sflag:$0x3], $0x80, s26, s20, $0xb8;
	[tilespmem:$0x1E800] =	vst v63  }
0x6c: {  	_ =	swait.ge [sflag:s17], $0x4000  }
0x6d: {  	[sflag:s17] =	ssyncset.done $0x0  }
0x6e: {  	s0 =	simm.s32 $0x0;
	[sflag:s17] =	ssyncadd.s32 $0xFFFFC000  }
0x6f: {  	[tilespmem:s18], [sflag:$0x3] =	stream.linear.gather [hbm4b:s12+s0], $0x1400, $0x38;
	[tilespmem:$0x1E800] =	vst v63  }
0x70: {  	_ =	swait.ge [sflag:s17], $0x1400  }
0x71: {  	[sflag:s17] =	ssyncset.done $0x0  }
0x72: {  	[sflag:s17] =	ssyncadd.s32 $0xFFFFEC00  }
0x73: {  	[tilespmem:s19], [sflag:$0x3] =	stream.linear.gather [hbm4b:s13+s0], $0x1400, $0x38;
	[tilespmem:$0x1E800] =	vst v63  }
0x74: {  	_ =	swait.ge [sflag:s17], $0x1400  }
0x75: {  	[sflag:s17] =	ssyncset.done $0x0  }
0x76: {  	[sflag:s17] =	ssyncadd.s32 $0xFFFFEC00  }
0x77: {  	[tilespmem:s16], [sflag:$0x1] =	stream.indirect.gather [hbm4b:s4+s20], $0x80, s18, s20, $0xb8;
	[tilespmem:$0x1E800] =	vst v63  }
0x78: {  	_ =	swait.ge [sflag:s21], $0x4000  }
0x79: {  	[sflag:s21] =	ssyncset.done $0x0  }
0x7a: {  	s30 =	simm.s32 $0x14080;
	[sflag:s21] =	ssyncadd.s32 $0xFFFFC000  }
0x7b: {  	[tilespmem:s22], [sflag:$0x2] =	stream.indirect.gather [hbm4b:s4+s20], $0x80, s30, s20, $0xb8;
	[tilespmem:$0x1E800] =	vst v63  }
0x7c: {  	s31 =	simm.s32 $0x15400  }
0x7d: {  	[spmem:s1] =	stream.indirect.scatter.add.f32 [tilespmem:s16], [sflag:$0x3], $0x80, s31, s20, $0xb8;
	[tilespmem:$0x1E800] =	vst v63  }
0x7e: {  	_ =	swait.ge [sflag:s17], $0x4000  }
0x7f: {  	[sflag:s17] =	ssyncset.done $0x0  }
0x80: {  	s30 =	simm.s32 $0x14100;
	[sflag:s17] =	ssyncadd.s32 $0xFFFFC000  }
0x81: {  	[tilespmem:s16], [sflag:$0x1] =	stream.indirect.gather [hbm4b:s4+s20], $0x80, s30, s20, $0xb8;
	[tilespmem:$0x1E800] =	vst v63  }
0x82: {  	_ =	swait.ge [sflag:s23], $0x4000  }
0x83: {  	[sflag:s23] =	ssyncset.done $0x0  }
0x84: {  	s31 =	simm.s32 $0x15480;
	[sflag:s23] =	ssyncadd.s32 $0xFFFFC000  }
0x85: {  	[spmem:s1] =	stream.indirect.scatter.add.f32 [tilespmem:s22], [sflag:$0x3], $0x80, s31, s20, $0xb8;
	[tilespmem:$0x1E800] =	vst v63  }
0x86: {  	_ =	swait.ge [sflag:s17], $0x4000  }
0x87: {  	s29 =	simm.s32 $0x400;
	[sflag:s17] =	ssyncset.done $0x0  }
.LBB2_6:
0x88: {  	p0 =	sne.s32 s29, $0x4800  }
0x89: {  	[sflag:s17] =	ssyncadd.s32 $0xFFFFC000;
	s0 =	smov.u32 s29;
	s29 =	sadd.s32 $0x400, s29  }
0x8a: {  	_ =	swait.ge [sflag:s21], $0x4000  }
0x8b: {  	s0 =	sshra.s32 s0, $0x2;
	[sflag:s21] =	ssyncset.done $0x0  }
0x8c: {  	s30 =	sadd.s32 $0x14080, s0;
	[sflag:s21] =	ssyncadd.s32 $0xFFFFC000  }
0x8d: {  	[tilespmem:s22], [sflag:$0x2] =	stream.indirect.gather [hbm4b:s4+s20], $0x80, s30, s20, $0xb8;
	[tilespmem:$0x1E800] =	vst v63  }
0x8e: {  	s30 =	sadd.s32 $0x15400, s0  }
0x8f: {  	[spmem:s1] =	stream.indirect.scatter.add.f32 [tilespmem:s16], [sflag:$0x3], $0x80, s30, s20, $0xb8;
	[tilespmem:$0x1E800] =	vst v63  }
0x90: {  	_ =	swait.ge [sflag:s17], $0x4000  }
0x91: {  	[sflag:s17] =	ssyncset.done $0x0  }
0x92: {  	s30 =	sadd.s32 $0x14100, s0;
	[sflag:s17] =	ssyncadd.s32 $0xFFFFC000  }
0x93: {  	[tilespmem:s16], [sflag:$0x1] =	stream.indirect.gather [hbm4b:s4+s20], $0x80, s30, s20, $0xb8;
	[tilespmem:$0x1E800] =	vst v63  }
0x94: {  	_ =	swait.ge [sflag:s23], $0x4000  }
.Ltmp2:
0x95: {  	[sflag:s23] =	ssyncset.done $0x0;
	(pc) =	sbr.rel @p0 .LBB2_6-.Ltmp2, $4  }
0x96: {  	s0 =	sadd.s32 $0x15480, s0;
	[sflag:s23] =	ssyncadd.s32 $0xFFFFC000  }
0x97: {  	[spmem:s1] =	stream.indirect.scatter.add.f32 [tilespmem:s22], [sflag:$0x3], $0x80, s0, s20, $0xb8;
	[tilespmem:$0x1E800] =	vst v63  }
0x98: {  	_ =	swait.ge [sflag:s17], $0x4000  }
0x99: {  	[sflag:s17] =	ssyncset.done $0x0  }
0x9a: {  	[sflag:s17] =	ssyncadd.s32 $0xFFFFC000  }
0x9b: {  	_ =	swait.ge [sflag:s21], $0x4000  }
0x9c: {  	[sflag:s21] =	ssyncset.done $0x0  }
0x9d: {  	[sflag:s21] =	ssyncadd.s32 $0xFFFFC000  }
0x9e: {  	[tilespmem:s22], [sflag:$0x2] =	stream.indirect.gather [hbm4b:s4+s20], $0x80, s24, s20, $0xb8;
	[tilespmem:$0x1E800] =	vst v63  }
0x9f: {  	_ = 	snop  }
0xa0: {  	[spmem:s1] =	stream.indirect.scatter.add.f32 [tilespmem:s16], [sflag:$0x3], $0x80, s25, s20, $0xb8;
	[tilespmem:$0x1E800] =	vst v63  }
0xa1: {  	_ =	swait.ge [sflag:s17], $0x4000  }
0xa2: {  	[sflag:s17] =	ssyncset.done $0x0  }
0xa3: {  	[sflag:s17] =	ssyncadd.s32 $0xFFFFC000  }
0xa4: {  	_ =	swait.ge [sflag:s23], $0x4000  }
0xa5: {  	[sflag:s23] =	ssyncset.done $0x0  }
0xa6: {  	[sflag:s23] =	ssyncadd.s32 $0xFFFFC000  }
0xa7: {  	[spmem:s1] =	stream.indirect.scatter.add.f32 [tilespmem:s22], [sflag:$0x3], $0x80, s26, s20, $0xb8;
	[tilespmem:$0x1E800] =	vst v63  }
0xa8: {  	_ =	swait.ge [sflag:s17], $0x4000  }
0xa9: {  	s0 =	sshll.u32 s2, $0x6;
	s28 =	sadd.s32 $0x1, s28;
	[sflag:s17] =	ssyncset.done $0x0  }
0xaa: {  	s29 =	sshrl.u32 s5, $0x3;
	p0 =	sne.s32 s28, s15;
	[sflag:s17] =	ssyncadd.s32 $0xFFFFC000  }
.Ltmp3:
0xab: {  	s0 =	sor.u32 $0x1C03, s0;
	[bflag:$0x0] =	sbarrier.arrive $0xFFFF;
	(pc) =	sbr.rel @p0 .LBB2_1-.Ltmp3, $4  }
0xac: {  	[hbm:s14], [sflag:s0] =	dma.local [spmem:s29], $0x2800  }
0xad: {  	_ =	swait.ge [sflag:s17], $0x2800  }
0xae: {  	[sflag:s17] =	ssyncset.done $0x0  }
0xaf: {  	[sflag:s17] =	ssyncadd.s32 $0xFFFFD800  }
0xb0: {  	_ =	sfence.sel $0x180000  }
0xb1: {  	[bflag:$0x0] =	sbarrier.arrive $0xFFFF  }
0xb2: {  	_ =	strace $0x9000004A  }
0xb3: {  	[bflag:$0x2] =	sbarrier.arrive $0xFFFF  }
0xb4: {  	p0 =	sne.s32 s2, $0x0;
	s0 =	rddreg [dreg:$0x3]  }
0xb5: {  	s0 =	sadd.s32 @!p0 $0x100000, s0  }
0xb6: {  	[sflag:s0] =	ssyncadd.tile.s32 @!p0 $0x1;
	_ =	shalt  }
.Lfunc_end2:
_tile_overlayer_lowered:
.L_overlay_start_2:
0xb7: {  	(tag) =	ssettag $0x2  }
0xb8: {  	s0 =	rddreg [dreg:$0x0];
	s2 =	stileid.u32  }
0xb9: {  	s1 =	rddreg [dreg:$0x1];
	p0 =	sne.s32 s2, $0x0  }
0xba: {  	s3 =	rddreg [dreg:$0x2];
	[bflag:$0x3] =	sbarrier.arrive $0xFFFF;
	s2 =	simm.s32 @!p0 $0x1C03  }
0xbb: {  	[timem:s3], [sflag:s2] =	dma.local @!p0 [hbm:s0], s1  }
0xbc: {  	s0 =	simm.s32 @!p0 $0x3  }
0xbd: {  	_ =	swait.ge @!p0 [sflag:s0], s1  }
0xbe: {  	s1 =	ssub.s32 @!p0 $0x0, s1;
	[sflag:s0] =	ssyncset.done @!p0 $0x0  }
0xbf: {  	[sflag:s0] =	ssyncadd.s32 @!p0 s1  }
0xc0: {  	[bflag:$0x3] =	sbarrier.arrive $0xFFFF  }
0xc1: {  	_ =	shalt  }

// kernel: kernel.15.cloned.1.call-start
scs
__scs_entry_jumppad:
0x0: {  	(pc) =	sbr.rel $0x88, $3  }
0x1: {  	(tag) =	ssettag $0x0;
	lr =	simm.s32 $0x1  }
0x2: {  	[smem:$0x3F9B] =	sst lr;
	_ =	strace $0xD0000000  }
0x3: {  	_ = 	snop  }
0x4: {  	_ = 	snop  }
0x5: {  	_ = 	snop  }
0x6: {  	_ = 	snop  }
0x7: {  	_ = 	snop  }
__scs_overlays_trampoline_lowered:
0x8: {  	[smem:$0x3FAA] =	sst s0  }
0x9: {  	[smem:$0x3FAB] =	sst s1  }
0xa: {  	[smem:$0x3FAC] =	sst s2  }
0xb: {  	[smem:$0x3FAD] =	sst s3  }
0xc: {  	[smem:$0x3FAE] =	sst s4  }
0xd: {  	[smem:$0x3FAF] =	sst s5  }
0xe: {  	[smem:$0x3FB0] =	sst s6  }
0xf: {  	[smem:$0x3FB1] =	sst s7  }
0x10: {  	[smem:$0x3FB2] =	sst s8  }
0x11: {  	[smem:$0x3FB3] =	sst s9;
	s0 =	simm.s32 @!p0 $0x0  }
0x12: {  	s1 =	sld [smem:$0x3F99];
	s0 =	simm.s32 @p0 $0x1  }
0x13: {  	[smem:$0x3FB4] =	sst s0;
	s0 =	simm.s32 @!p1 $0x0  }
0x14: {  	s2 =	sld [smem:$0x3F98];
	s0 =	simm.s32 @p1 $0x1  }
0x15: {  	[smem:$0x3FB5] =	sst s0;
	s0 =	simm.s32 @!p2 $0x0  }
0x16: {  	s3 =	sld [smem:$0x3FDB];
	s0 =	simm.s32 @p2 $0x1  }
0x17: {  	s4 =	simm.s32 $0x1BF5;
	[smem:$0x3FB7] =	sst s0  }
0x18: {  	s0 =	sld [smem:$0x3F9A];
	_ =	swait.ge [sflag:s4], $0x0  }
0x19: {  	s7 =	sld [smem:$0x3F9B]  }
0x1a: {  	s8 =	sadd.s32 $0xFFFFE003, lr  }
0x1b: {  	s9 =	sadd.s32 $0xFFFFFEF7, lr;
	s5 =	simm.s32 $0xFFFFFFFF;
	p2 =	slt.u32 s8, $0xFFFFF086  }
0x1c: {  	p1 =	slt.u32 s9, $0xF7A;
	s5 =	simm.s32 @!p2 $0x0  }
0x1d: {  	s5 =	simm.s32 @p1 $0x1;
	p0 =	seq.s32 s7, s2  }
0x1e: {  	s7 =	smul.u32 @!p0 $0xF7A, s2;
	p2 =	seq.s32 @!p0 s5, $0x0  }
0x1f: {  	s9 =	smul.u32 $0xF7A, s1;
	s8 =	simm.s32 @!p0 $0x1BF5;
	p2 =	por !p2, p0  }
0x20: {  	[sflag:s8] =	ssyncset.s32 @!p0 $0xFFFFF086;
	s6 =	sadd.s32 @!p0 s3, s7;
	s7 =	simm.s32 @!p0 $0x108  }
0x21: {  	s3 =	sadd.s32 s3, s9;
	s6 =	sadd.s32 @!p0 $0x88, s6;
	s7 =	simm.s32 @p2 $0x1082  }
0x22: {  	[simem:s7], [sflag:s8] =	dma.local @!p0 [hbm:s6], $0xF7A  }
0x23: {  	s9 =	sor.u32 $0xD0000000, s2;
	s6 =	simm.s32 $0x108;
	_ =	swait.ge @!p0 [sflag:s8], $0x0  }
0x24: {  	s3 =	sadd.s32 $0x88, s3;
	s6 =	simm.s32 @!p1 $0x1082;
	[sflag:s4] =	ssyncset.s32 $0xFFFFF086  }
0x25: {  	[simem:s6], [sflag:s4] =	dma.local [hbm:s3], $0xF7A  }
0x26: {  	[smem:$0x3F9B] =	sst s1;
	(tag) =	ssettag s2;
	_ =	strace s9  }
0x27: {  	s1 =	sld [smem:$0x3FAB]  }
0x28: {  	s2 =	sld [smem:$0x3FAC]  }
0x29: {  	s4 =	sld [smem:$0x3FAE]  }
0x2a: {  	p0 =	seq.s32 s5, $0x0;
	s5 =	sld [smem:$0x3FAF]  }
0x2b: {  	s6 =	sld [smem:$0x3FB0]  }
0x2c: {  	s7 =	sld [smem:$0x3FB1]  }
0x2d: {  	s3 =	simm.s32 $0x108;
	s8 =	sld [smem:$0x3FB2]  }
0x2e: {  	s3 =	simm.s32 @!p0 $0x1082;
	s9 =	sld [smem:$0x3FB3]  }
0x2f: {  	lr =	sadd.s32 s0, s3;
	s0 =	sld [smem:$0x3FAA]  }
0x30: {  	s3 =	sld [smem:$0x3FAD]  }
0x31: {  	[smem:$0x3FB6] =	sst s10  }
0x32: {  	s10 =	sld [smem:$0x3FB4];
	_ =	sdelay $0x3  }
0x33: {  	p0 =	seq.s32 s10, $0x1;
	s10 =	sld [smem:$0x3FB6];
	_ =	sdelay $0x3  }
0x34: {  	[smem:$0x3FB6] =	sst s10  }
0x35: {  	s10 =	sld [smem:$0x3FB5];
	_ =	sdelay $0x3  }
0x36: {  	p1 =	seq.s32 s10, $0x1;
	s10 =	sld [smem:$0x3FB6];
	_ =	sdelay $0x3  }
0x37: {  	[smem:$0x3FB6] =	sst s10  }
0x38: {  	s10 =	sld [smem:$0x3FB7]  }
0x39: {  	_ = 	snop;
	(pc) =	sbr.ind lr, $3  }
0x3a: {  	_ = 	snop  }
0x3b: {  	_ = 	snop  }
0x3c: {  	p2 =	seq.s32 s10, $0x1;
	s10 =	sld [smem:$0x3FB6]  }
0x3d: {  	_ =	shalt  }
0x3e: {  	_ =	shalt  }
0x3f: {  	_ =	shalt  }
0x40: {  	_ =	shalt  }
0x41: {  	_ =	shalt  }
0x42: {  	_ =	shalt  }
0x43: {  	_ =	shalt  }
0x44: {  	_ =	shalt  }
0x45: {  	_ =	shalt  }
0x46: {  	_ =	shalt  }
0x47: {  	_ =	shalt  }
0x48: {  	_ =	shalt  }
0x49: {  	_ =	shalt  }
0x4a: {  	_ =	shalt  }
0x4b: {  	_ =	shalt  }
0x4c: {  	_ =	shalt  }
0x4d: {  	_ =	shalt  }
0x4e: {  	_ =	shalt  }
0x4f: {  	_ =	shalt  }
0x50: {  	_ =	shalt  }
0x51: {  	_ =	shalt  }
0x52: {  	_ =	shalt  }
0x53: {  	_ =	shalt  }
0x54: {  	_ =	shalt  }
0x55: {  	_ =	shalt  }
0x56: {  	_ =	shalt  }
0x57: {  	_ =	shalt  }
0x58: {  	_ =	shalt  }
0x59: {  	_ =	shalt  }
0x5a: {  	_ =	shalt  }
0x5b: {  	_ =	shalt  }
0x5c: {  	_ =	shalt  }
0x5d: {  	_ =	shalt  }
0x5e: {  	_ =	shalt  }
0x5f: {  	_ =	shalt  }
0x60: {  	_ =	shalt  }
0x61: {  	_ =	shalt  }
0x62: {  	_ =	shalt  }
0x63: {  	_ =	shalt  }
0x64: {  	_ =	shalt  }
0x65: {  	_ =	shalt  }
0x66: {  	_ =	shalt  }
0x67: {  	_ =	shalt  }
0x68: {  	_ =	shalt  }
0x69: {  	_ =	shalt  }
0x6a: {  	_ =	shalt  }
0x6b: {  	_ =	shalt  }
0x6c: {  	_ =	shalt  }
0x6d: {  	_ =	shalt  }
0x6e: {  	_ =	shalt  }
0x6f: {  	_ =	shalt  }
0x70: {  	_ =	shalt  }
0x71: {  	_ =	shalt  }
0x72: {  	_ =	shalt  }
0x73: {  	_ =	shalt  }
0x74: {  	_ =	shalt  }
0x75: {  	_ =	shalt  }
0x76: {  	_ =	shalt  }
0x77: {  	_ =	shalt  }
0x78: {  	_ =	shalt  }
0x79: {  	_ =	shalt  }
0x7a: {  	_ =	shalt  }
0x7b: {  	_ =	shalt  }
0x7c: {  	_ =	shalt  }
0x7d: {  	_ =	shalt  }
0x7e: {  	_ =	shalt  }
0x7f: {  	_ =	shalt  }
0x80: {  	_ =	shalt  }
0x81: {  	_ =	shalt  }
0x82: {  	_ =	shalt  }
0x83: {  	_ =	shalt  }
0x84: {  	_ =	shalt  }
0x85: {  	_ =	shalt  }
0x86: {  	_ =	shalt  }
0x87: {  	_ =	shalt  }
.Lfunc_end0:
.L_simem_size_0:
called_computation.2_lowered:
.L_overlay_start_0:
0x88: {  	s2 =	sld [smem:$0x3FD9]  }
0x89: {  	s3 =	sld [smem:$0x3FFE];
	_ =	sdelay $0x1  }
0x8a: {  	s1 =	srdreg.scid  }
0x8b: {  	s0 =	sand.u32 $0x1, s1  }
0x8c: {  	s17 =	sshll.u32 s0, $0xA;
	s2 =	sadd.s32 s3, s2  }
0x8d: {  	s2 =	sadd.s32 s2, s17  }
0x8e: {  	[smem:$0x3FC2] =	sst s2  }
0x8f: {  	_ = 	snop  }
0x90: {  	s2 =	sld [smem:$0x3FD0];
	(tm) =	ssettm $0x1  }
0x91: {  	s18 =	sld [smem:$0x3FFB];
	_ =	sdelay $0x3  }
0x92: {  	_ =	strace s18  }
0x93: {  	s3 =	sld [smem:$0x3FFC];
	_ =	sdelay $0x3  }
0x94: {  	_ =	strace s3  }
0x95: {  	s3 =	sld [smem:$0x3FFD];
	_ =	sdelay $0x3  }
0x96: {  	_ =	strace s3  }
0x97: {  	_ =	strace $0x8FFFFFFF  }
0x98: {  	s19 =	sld [smem:$0x3FDB];
	_ =	sdelay $0x1  }
0x99: {  	s4 =	simm.s32 $_scs_section_size  }
0x9a: {  	s5 =	simm.s32 $_size__tile_overlayer_lowered;
	s6 =	simm.s32 $_tile_overlayer_lowered  }
0x9b: {  	s22 =	simm.s32 $0x1BFF;
	s21 =	sshll.u32 s6, $0x1;
	s3 =	sadd.s32 s4, s19  }
0x9c: {  	s7 =	simm.s32 $0x0;
	s20 =	sshll.u32 s5, $0x1;
	s5 =	sadd.s32 s21, s3  }
0x9d: {  	[timem:s7], [sflag:s22] =	dma.local [hbm:s5], s20  }
0x9e: {  	_ =	swait.ge [sflag:s22], s20  }
0x9f: {  	s4 =	ssub.s32 $0x0, s20;
	[sflag:s22] =	ssyncset.done $0x0  }
0xa0: {  	[sflag:s22] =	ssyncadd.s32 s4;
	_ =	sdelay $0x1  }
0xa1: {  	s23 =	simm.s32 $0x1B8B  }
0xa2: {  	_ =	swait.ge [sflag:s23], $0x1  }
0xa3: {  	[sflag:s23] =	ssyncset.done $0x0  }
0xa4: {  	s25 =	simm.s32 $0x1B8E;
	s24 =	sld [smem:$0x3FFE];
	[sflag:s23] =	ssyncadd.s32 $0xFFFFFFFF  }
0xa5: {  	s26 =	simm.s32 $execute0_lowered;
	[smem:$0x3FD2] =	sst s25  }
0xa6: {  	s5 =	sshll.u32 s26, $0x1;
	_ =	strace $0x8000004C;
	[dreg:$0x1] =	wrdreg $0xFFFFFFFF  }
0xa7: {  	s28 =	simm.s32 $_size_execute0_lowered;
	s3 =	sadd.s32 s3, s5;
	[dreg:$0x0] =	wrdreg $0x0  }
0xa8: {  	s5 =	sshll.u32 s28, $0x1;
	[dreg:$0x2] =	wrdreg s3  }
0xa9: {  	[dreg:$0x3] =	wrdreg s5  }
0xaa: {  	[dreg:$0x4] =	wrdreg $0xC0  }
0xab: {  	_ =	task [dreg:s7], $0x5FFFF  }
0xac: {  	[dreg:$0x1] =	wrdreg $0xFFFFFFFF  }
0xad: {  	[dreg:$0x0] =	wrdreg $0x60  }
0xae: {  	[dreg:$0x2] =	wrdreg s24  }
0xaf: {  	[dreg:$0x3] =	wrdreg s2  }
0xb0: {  	[dreg:$0x4] =	wrdreg $0x0  }
0xb1: {  	[dreg:$0x5] =	wrdreg $0x9  }
0xb2: {  	_ =	task.clear_ibuf [dreg:s7], $0x6FFFF;
	_ =	strace $0x9000004C  }
0xb3: {  	s29 =	simm.s32 $0x9;
	_ =	strace $0x8000004E  }
0xb4: {  	_ =	swait.ge [sflag:s29], $0x1  }
0xb5: {  	[sflag:s29] =	ssyncadd.s32 $0xFFFFFFFF  }
0xb6: {  	_ =	strace $0x9000004E  }
0xb7: {  	_ =	sfence  }
0xb8: {  	s30 =	sld [smem:$0x0];
	_ =	sdelay $0x2  }
0xb9: {  	s31 =	sshll.u32 s1, $0xD;
	s1 =	sshrl.u32 s1, $0x2  }
0xba: {  	s3 =	sand.u32 $0x4000, s31;
	s1 =	sadd.s32 s1, s30  }
0xbb: {  	s0 =	sor.u32 s3, s0;
	s1 =	sshll.u32 s1, $0x11  }
0xbc: {  	s0 =	sor.u32 s1, s0  }
0xbd: {  	s0 =	sadd.s32 $0x8F2B, s0  }
0xbe: {  	[sflag:s0] =	ssyncadd.remote.s32 $0x1  }
0xbf: {  	_ =	sfence.sel $0xFFFF  }
0xc0: {  	[dreg:$0x0] =	wrdreg $0xFFFFFFFF;
	(pc) =	sbr.abs _section_cstart, $3  }
0xc1: {  	[dreg:$0x1] =	wrdreg $0xFFFFFFFF  }
0xc2: {  	_ =	task.clear_ibuf [dreg:s7], $0x2FFFF;
	_ =	strace $0x9FFFFFFF  }
0xc3: {  	(tm) =	ssettm $0x7FFFFFFF  }
tec
execute0_lowered:
.L_overlay_start_1:
0x0: {  	(tag) =	ssettag $0x1  }
0x1: {  	s6 =	rddreg [dreg:$0x0]  }
0x2: {  	s13 =	rddreg [dreg:$0x1]  }
0x3: {  	s1 =	rddreg [dreg:$0x2];
	s2 =	srdreg.scid;
	s3 =	simm.s32 $0x0  }
0x4: {  	s18 =	simm.s32 $0x14000;
	s19 =	simm.s32 $0x15400;
	s20 =	simm.s32 $0x80  }
0x5: {  	s21 =	simm.s32 $0x1;
	s22 =	simm.s32 $0x1A800;
	s23 =	simm.s32 $0x2  }
0x6: {  	s24 =	simm.s32 $0x15380;
	s25 =	simm.s32 $0x16700;
	s28 =	simm.s32 $0x0  }
0x7: {  	s5 =	sand.u32 $0x1, s2;
	s2 =	stileid.u32;
	[smem:$0x7FF] =	sst s3  }
0x8: {  	s4 =	sadd.s32 $0xC000, s6;
	s12 =	sadd.s32 $0x2000, s6;
	s7 =	smul.u32 $0x140000, s5  }
0x9: {  	s8 =	smul.u32 $0x14000, s2;
	_ =	strace $0x8000004D;
	s9 =	sshll.u32 s5, $0x4  }
0xa: {  	s26 =	smul.u32 $0x50000, s2;
	s10 =	ssub.s32 $0x2, s5;
	s9 =	sor.u32 s2, s9  }
0xb: {  	s30 =	sshrl.u32 s10, $0x1;
	s7 =	sadd.s32 s8, s7;
	s11 =	smul.u32 $0x2800, s9  }
0xc: {  	s29 =	sshrl.u32 s26, $0x2;
	s15 =	ssub.s32 s10, s30;
	s16 =	smul.u32 $0x500, s9  }
0xd: {  	s26 =	simm.s32 $0x16780;
	s7 =	sshrl.u32 s7, $0x3;
	s5 =	sadd.s32 s29, s1  }
0xe: {  	s15 =	smax.u32 s15, $0x1;
	s14 =	sadd.s32 s7, s6;
	s6 =	sadd.s32 $0x4000, s5  }
0xf: {  	s7 =	sadd.s32 $0x8000, s5;
	s31 =	sshrl.u32 s11, $0x3;
	s8 =	sadd.s32 $0xC000, s5  }
0x10: {  	s9 =	sadd.s32 $0x10000, s5;
	s10 =	sadd.s32 s12, s16;
	s11 =	sadd.s32 s13, s16  }
0x11: {  	s16 =	simm.s32 $0x16800;
	s17 =	sadd.s32 $0x280, s31;
	s14 =	sadd.s32 $0x34000, s14  }
0x12: {  	v0 =	vimm.f32 $0.0e+00;
	s12 =	sadd.s32 s12, s17;
	s13 =	sadd.s32 s13, s17;
	s17 =	simm.s32 $0x3  }
.LBB2_1:
0x13: {  	s29 =	sand.u32 $0xFE00, s3  }
0x14: {  	s30 =	sand.u32 $0x70, s3;
	s31 =	sshrl.u32 s29, $0x2  }
0x15: {  	s29 =	simm.s32 $0x40;
	s31 =	sor.u32 s30, s31;
	s30 =	simm.s32 $0x0  }
.LBB2_2:
0x16: {  	p0 =	sne.s32 s29, $0xFFC0  }
0x17: {  	[tilespmem:s31+$0x16800] =	vst v0;
	s30 =	sadd.s32 $0x10, s30;
	s31 =	smov.u32 s29;
	s29 =	sadd.s32 $0x40, s29  }
.Ltmp0:
0x18: {  	(pc) =	sbr.rel @p0 .LBB2_2-.Ltmp0, $4  }
0x19: {  	_ = 	snop  }
0x1a: {  	s31 =	sand.u32 $0xFE00, s31  }
0x1b: {  	s0 =	sand.u32 $0x70, s30;
	s31 =	sshrl.u32 s31, $0x2  }
0x1c: {  	s31 =	sor.u32 s0, s31  }
0x1d: {  	[tilespmem:s31+$0x16800] =	vst v0  }
0x1e: {  	[spmem:s5] =	stream.linear.scatter [tilespmem:s16], [sflag:$0x3], $0x4000, $0x38;
	[tilespmem:$0x1E800] =	vst v63  }
0x1f: {  	_ =	swait.ge [sflag:s17], $0x4000  }
0x20: {  	[sflag:s17] =	ssyncset.done $0x0  }
0x21: {  	[sflag:s17] =	ssyncadd.s32 $0xFFFFC000  }
0x22: {  	[spmem:s6] =	stream.linear.scatter [tilespmem:s16], [sflag:$0x3], $0x4000, $0x38;
	[tilespmem:$0x1E800] =	vst v63  }
0x23: {  	_ =	swait.ge [sflag:s17], $0x4000  }
0x24: {  	[sflag:s17] =	ssyncset.done $0x0  }
0x25: {  	[sflag:s17] =	ssyncadd.s32 $0xFFFFC000  }
0x26: {  	[spmem:s7] =	stream.linear.scatter [tilespmem:s16], [sflag:$0x3], $0x4000, $0x38;
	[tilespmem:$0x1E800] =	vst v63  }
0x27: {  	_ =	swait.ge [sflag:s17], $0x4000  }
0x28: {  	[sflag:s17] =	ssyncset.done $0x0  }
0x29: {  	[sflag:s17] =	ssyncadd.s32 $0xFFFFC000  }
0x2a: {  	[spmem:s8] =	stream.linear.scatter [tilespmem:s16], [sflag:$0x3], $0x4000, $0x38;
	[tilespmem:$0x1E800] =	vst v63  }
0x2b: {  	_ =	swait.ge [sflag:s17], $0x4000  }
0x2c: {  	[sflag:s17] =	ssyncset.done $0x0  }
0x2d: {  	[sflag:s17] =	ssyncadd.s32 $0xFFFFC000  }
0x2e: {  	[spmem:s9] =	stream.linear.scatter [tilespmem:s16], [sflag:$0x3], $0x4000, $0x38;
	[tilespmem:$0x1E800] =	vst v63  }
0x2f: {  	_ =	swait.ge [sflag:s17], $0x4000  }
0x30: {  	[sflag:s17] =	ssyncset.done $0x0  }
0x31: {  	[sflag:s17] =	ssyncadd.s32 $0xFFFFC000  }
0x32: {  	s0 =	simm.s32 $0x0;
	[bflag:$0x0] =	sbarrier.arrive $0xFFFF  }
0x33: {  	[tilespmem:s18], [sflag:$0x3] =	stream.linear.gather [hbm4b:s10+s0], $0x1400, $0x38;
	[tilespmem:$0x1E800] =	vst v63  }
0x34: {  	_ =	swait.ge [sflag:s17], $0x1400  }
0x35: {  	[sflag:s17] =	ssyncset.done $0x0  }
0x36: {  	[sflag:s17] =	ssyncadd.s32 $0xFFFFEC00  }
0x37: {  	[tilespmem:s19], [sflag:$0x3] =	stream.linear.gather [hbm4b:s11+s0], $0x1400, $0x38;
	[tilespmem:$0x1E800] =	vst v63  }
0x38: {  	_ =	swait.ge [sflag:s17], $0x1400  }
0x39: {  	[sflag:s17] =	ssyncset.done $0x0  }
0x3a: {  	[sflag:s17] =	ssyncadd.s32 $0xFFFFEC00  }
0x3b: {  	[tilespmem:s16], [sflag:$0x1] =	stream.indirect.gather [hbm4b:s4+s20], $0x80, s18, s20, $0xb8;
	[tilespmem:$0x1E800] =	vst v63  }
0x3c: {  	_ =	swait.ge [sflag:s21], $0x4000  }
0x3d: {  	[sflag:s21] =	ssyncset.done $0x0  }
0x3e: {  	s30 =	simm.s32 $0x14080;
	[sflag:s21] =	ssyncadd.s32 $0xFFFFC000  }
0x3f: {  	[tilespmem:s22], [sflag:$0x2] =	stream.indirect.gather [hbm4b:s4+s20], $0x80, s30, s20, $0xb8;
	[tilespmem:$0x1E800] =	vst v63  }
0x40: {  	s31 =	simm.s32 $0x15400  }
0x41: {  	[spmem:s1] =	stream.indirect.scatter.add.f32 [tilespmem:s16], [sflag:$0x3], $0x80, s31, s20, $0xb8;
	[tilespmem:$0x1E800] =	vst v63  }
0x42: {  	_ =	swait.ge [sflag:s17], $0x4000  }
0x43: {  	[sflag:s17] =	ssyncset.done $0x0  }
0x44: {  	s30 =	simm.s32 $0x14100;
	[sflag:s17] =	ssyncadd.s32 $0xFFFFC000  }
0x45: {  	[tilespmem:s16], [sflag:$0x1] =	stream.indirect.gather [hbm4b:s4+s20], $0x80, s30, s20, $0xb8;
	[tilespmem:$0x1E800] =	vst v63  }
0x46: {  	_ =	swait.ge [sflag:s23], $0x4000  }
0x47: {  	[sflag:s23] =	ssyncset.done $0x0  }
0x48: {  	s31 =	simm.s32 $0x15480;
	[sflag:s23] =	ssyncadd.s32 $0xFFFFC000  }
0x49: {  	[spmem:s1] =	stream.indirect.scatter.add.f32 [tilespmem:s22], [sflag:$0x3], $0x80, s31, s20, $0xb8;
	[tilespmem:$0x1E800] =	vst v63  }
0x4a: {  	_ =	swait.ge [sflag:s17], $0x4000  }
0x4b: {  	s29 =	simm.s32 $0x400;
	[sflag:s17] =	ssyncset.done $0x0  }
.LBB2_4:
0x4c: {  	p0 =	sne.s32 s29, $0x4800  }
0x4d: {  	[sflag:s17] =	ssyncadd.s32 $0xFFFFC000;
	s0 =	smov.u32 s29;
	s29 =	sadd.s32 $0x400, s29  }
0x4e: {  	_ =	swait.ge [sflag:s21], $0x4000  }
0x4f: {  	s0 =	sshra.s32 s0, $0x2;
	[sflag:s21] =	ssyncset.done $0x0  }
0x50: {  	s30 =	sadd.s32 $0x14080, s0;
	[sflag:s21] =	ssyncadd.s32 $0xFFFFC000  }
0x51: {  	[tilespmem:s22], [sflag:$0x2] =	stream.indirect.gather [hbm4b:s4+s20], $0x80, s30, s20, $0xb8;
	[tilespmem:$0x1E800] =	vst v63  }
0x52: {  	s30 =	sadd.s32 $0x15400, s0  }
0x53: {  	[spmem:s1] =	stream.indirect.scatter.add.f32 [tilespmem:s16], [sflag:$0x3], $0x80, s30, s20, $0xb8;
	[tilespmem:$0x1E800] =	vst v63  }
0x54: {  	_ =	swait.ge [sflag:s17], $0x4000  }
0x55: {  	[sflag:s17] =	ssyncset.done $0x0  }
0x56: {  	s30 =	sadd.s32 $0x14100, s0;
	[sflag:s17] =	ssyncadd.s32 $0xFFFFC000  }
0x57: {  	[tilespmem:s16], [sflag:$0x1] =	stream.indirect.gather [hbm4b:s4+s20], $0x80, s30, s20, $0xb8;
	[tilespmem:$0x1E800] =	vst v63  }
0x58: {  	_ =	swait.ge [sflag:s23], $0x4000  }
.Ltmp1:
0x59: {  	[sflag:s23] =	ssyncset.done $0x0;
	(pc) =	sbr.rel @p0 .LBB2_4-.Ltmp1, $4  }
0x5a: {  	s0 =	sadd.s32 $0x15480, s0;
	[sflag:s23] =	ssyncadd.s32 $0xFFFFC000  }
0x5b: {  	[spmem:s1] =	stream.indirect.scatter.add.f32 [tilespmem:s22], [sflag:$0x3], $0x80, s0, s20, $0xb8;
	[tilespmem:$0x1E800] =	vst v63  }
0x5c: {  	_ =	swait.ge [sflag:s17], $0x4000  }
0x5d: {  	[sflag:s17] =	ssyncset.done $0x0  }
0x5e: {  	[sflag:s17] =	ssyncadd.s32 $0xFFFFC000  }
0x5f: {  	_ =	swait.ge [sflag:s21], $0x4000  }
0x60: {  	[sflag:s21] =	ssyncset.done $0x0  }
0x61: {  	[sflag:s21] =	ssyncadd.s32 $0xFFFFC000  }
0x62: {  	[tilespmem:s22], [sflag:$0x2] =	stream.indirect.gather [hbm4b:s4+s20], $0x80, s24, s20, $0xb8;
	[tilespmem:$0x1E800] =	vst v63  }
0x63: {  	_ = 	snop  }
0x64: {  	[spmem:s1] =	stream.indirect.scatter.add.f32 [tilespmem:s16], [sflag:$0x3], $0x80, s25, s20, $0xb8;
	[tilespmem:$0x1E800] =	vst v63  }
0x65: {  	_ =	swait.ge [sflag:s17], $0x4000  }
0x66: {  	[sflag:s17] =	ssyncset.done $0x0  }
0x67: {  	[sflag:s17] =	ssyncadd.s32 $0xFFFFC000  }
0x68: {  	_ =	swait.ge [sflag:s23], $0x4000  }
0x69: {  	[sflag:s23] =	ssyncset.done $0x0  }
0x6a: {  	[sflag:s23] =	ssyncadd.s32 $0xFFFFC000  }
0x6b: {  	[spmem:s1] =	stream.indirect.scatter.add.f32 [tilespmem:s22], [sflag:$0x3], $0x80, s26, s20, $0xb8;
	[tilespmem:$0x1E800] =	vst v63  }
0x6c: {  	_ =	swait.ge [sflag:s17], $0x4000  }
0x6d: {  	[sflag:s17] =	ssyncset.done $0x0  }
0x6e: {  	s0 =	simm.s32 $0x0;
	[sflag:s17] =	ssyncadd.s32 $0xFFFFC000  }
0x6f: {  	[tilespmem:s18], [sflag:$0x3] =	stream.linear.gather [hbm4b:s12+s0], $0x1400, $0x38;
	[tilespmem:$0x1E800] =	vst v63  }
0x70: {  	_ =	swait.ge [sflag:s17], $0x1400  }
0x71: {  	[sflag:s17] =	ssyncset.done $0x0  }
0x72: {  	[sflag:s17] =	ssyncadd.s32 $0xFFFFEC00  }
0x73: {  	[tilespmem:s19], [sflag:$0x3] =	stream.linear.gather [hbm4b:s13+s0], $0x1400, $0x38;
	[tilespmem:$0x1E800] =	vst v63  }
0x74: {  	_ =	swait.ge [sflag:s17], $0x1400  }
0x75: {  	[sflag:s17] =	ssyncset.done $0x0  }
0x76: {  	[sflag:s17] =	ssyncadd.s32 $0xFFFFEC00  }
0x77: {  	[tilespmem:s16], [sflag:$0x1] =	stream.indirect.gather [hbm4b:s4+s20], $0x80, s18, s20, $0xb8;
	[tilespmem:$0x1E800] =	vst v63  }
0x78: {  	_ =	swait.ge [sflag:s21], $0x4000  }
0x79: {  	[sflag:s21] =	ssyncset.done $0x0  }
0x7a: {  	s30 =	simm.s32 $0x14080;
	[sflag:s21] =	ssyncadd.s32 $0xFFFFC000  }
0x7b: {  	[tilespmem:s22], [sflag:$0x2] =	stream.indirect.gather [hbm4b:s4+s20], $0x80, s30, s20, $0xb8;
	[tilespmem:$0x1E800] =	vst v63  }
0x7c: {  	s31 =	simm.s32 $0x15400  }
0x7d: {  	[spmem:s1] =	stream.indirect.scatter.add.f32 [tilespmem:s16], [sflag:$0x3], $0x80, s31, s20, $0xb8;
	[tilespmem:$0x1E800] =	vst v63  }
0x7e: {  	_ =	swait.ge [sflag:s17], $0x4000  }
0x7f: {  	[sflag:s17] =	ssyncset.done $0x0  }
0x80: {  	s30 =	simm.s32 $0x14100;
	[sflag:s17] =	ssyncadd.s32 $0xFFFFC000  }
0x81: {  	[tilespmem:s16], [sflag:$0x1] =	stream.indirect.gather [hbm4b:s4+s20], $0x80, s30, s20, $0xb8;
	[tilespmem:$0x1E800] =	vst v63  }
0x82: {  	_ =	swait.ge [sflag:s23], $0x4000  }
0x83: {  	[sflag:s23] =	ssyncset.done $0x0  }
0x84: {  	s31 =	simm.s32 $0x15480;
	[sflag:s23] =	ssyncadd.s32 $0xFFFFC000  }
0x85: {  	[spmem:s1] =	stream.indirect.scatter.add.f32 [tilespmem:s22], [sflag:$0x3], $0x80, s31, s20, $0xb8;
	[tilespmem:$0x1E800] =	vst v63  }
0x86: {  	_ =	swait.ge [sflag:s17], $0x4000  }
0x87: {  	s29 =	simm.s32 $0x400;
	[sflag:s17] =	ssyncset.done $0x0  }
.LBB2_6:
0x88: {  	p0 =	sne.s32 s29, $0x4800  }
0x89: {  	[sflag:s17] =	ssyncadd.s32 $0xFFFFC000;
	s0 =	smov.u32 s29;
	s29 =	sadd.s32 $0x400, s29  }
0x8a: {  	_ =	swait.ge [sflag:s21], $0x4000  }
0x8b: {  	s0 =	sshra.s32 s0, $0x2;
	[sflag:s21] =	ssyncset.done $0x0  }
0x8c: {  	s30 =	sadd.s32 $0x14080, s0;
	[sflag:s21] =	ssyncadd.s32 $0xFFFFC000  }
0x8d: {  	[tilespmem:s22], [sflag:$0x2] =	stream.indirect.gather [hbm4b:s4+s20], $0x80, s30, s20, $0xb8;
	[tilespmem:$0x1E800] =	vst v63  }
0x8e: {  	s30 =	sadd.s32 $0x15400, s0  }
0x8f: {  	[spmem:s1] =	stream.indirect.scatter.add.f32 [tilespmem:s16], [sflag:$0x3], $0x80, s30, s20, $0xb8;
	[tilespmem:$0x1E800] =	vst v63  }
0x90: {  	_ =	swait.ge [sflag:s17], $0x4000  }
0x91: {  	[sflag:s17] =	ssyncset.done $0x0  }
0x92: {  	s30 =	sadd.s32 $0x14100, s0;
	[sflag:s17] =	ssyncadd.s32 $0xFFFFC000  }
0x93: {  	[tilespmem:s16], [sflag:$0x1] =	stream.indirect.gather [hbm4b:s4+s20], $0x80, s30, s20, $0xb8;
	[tilespmem:$0x1E800] =	vst v63  }
0x94: {  	_ =	swait.ge [sflag:s23], $0x4000  }
.Ltmp2:
0x95: {  	[sflag:s23] =	ssyncset.done $0x0;
	(pc) =	sbr.rel @p0 .LBB2_6-.Ltmp2, $4  }
0x96: {  	s0 =	sadd.s32 $0x15480, s0;
	[sflag:s23] =	ssyncadd.s32 $0xFFFFC000  }
0x97: {  	[spmem:s1] =	stream.indirect.scatter.add.f32 [tilespmem:s22], [sflag:$0x3], $0x80, s0, s20, $0xb8;
	[tilespmem:$0x1E800] =	vst v63  }
0x98: {  	_ =	swait.ge [sflag:s17], $0x4000  }
0x99: {  	[sflag:s17] =	ssyncset.done $0x0  }
0x9a: {  	[sflag:s17] =	ssyncadd.s32 $0xFFFFC000  }
0x9b: {  	_ =	swait.ge [sflag:s21], $0x4000  }
0x9c: {  	[sflag:s21] =	ssyncset.done $0x0  }
0x9d: {  	[sflag:s21] =	ssyncadd.s32 $0xFFFFC000  }
0x9e: {  	[tilespmem:s22], [sflag:$0x2] =	stream.indirect.gather [hbm4b:s4+s20], $0x80, s24, s20, $0xb8;
	[tilespmem:$0x1E800] =	vst v63  }
0x9f: {  	_ = 	snop  }
0xa0: {  	[spmem:s1] =	stream.indirect.scatter.add.f32 [tilespmem:s16], [sflag:$0x3], $0x80, s25, s20, $0xb8;
	[tilespmem:$0x1E800] =	vst v63  }
0xa1: {  	_ =	swait.ge [sflag:s17], $0x4000  }
0xa2: {  	[sflag:s17] =	ssyncset.done $0x0  }
0xa3: {  	[sflag:s17] =	ssyncadd.s32 $0xFFFFC000  }
0xa4: {  	_ =	swait.ge [sflag:s23], $0x4000  }
0xa5: {  	[sflag:s23] =	ssyncset.done $0x0  }
0xa6: {  	[sflag:s23] =	ssyncadd.s32 $0xFFFFC000  }
0xa7: {  	[spmem:s1] =	stream.indirect.scatter.add.f32 [tilespmem:s22], [sflag:$0x3], $0x80, s26, s20, $0xb8;
	[tilespmem:$0x1E800] =	vst v63  }
0xa8: {  	_ =	swait.ge [sflag:s17], $0x4000  }
0xa9: {  	s0 =	sshll.u32 s2, $0x6;
	s28 =	sadd.s32 $0x1, s28;
	[sflag:s17] =	ssyncset.done $0x0  }
0xaa: {  	s29 =	sshrl.u32 s5, $0x3;
	p0 =	sne.s32 s28, s15;
	[sflag:s17] =	ssyncadd.s32 $0xFFFFC000  }
.Ltmp3:
0xab: {  	s0 =	sor.u32 $0x1C03, s0;
	[bflag:$0x0] =	sbarrier.arrive $0xFFFF;
	(pc) =	sbr.rel @p0 .LBB2_1-.Ltmp3, $4  }
0xac: {  	[hbm:s14], [sflag:s0] =	dma.local [spmem:s29], $0x2800  }
0xad: {  	_ =	swait.ge [sflag:s17], $0x2800  }
0xae: {  	[sflag:s17] =	ssyncset.done $0x0  }
0xaf: {  	[sflag:s17] =	ssyncadd.s32 $0xFFFFD800  }
0xb0: {  	_ =	sfence.sel $0x180000  }
0xb1: {  	[bflag:$0x0] =	sbarrier.arrive $0xFFFF  }
0xb2: {  	_ =	strace $0x9000004D  }
0xb3: {  	[bflag:$0x2] =	sbarrier.arrive $0xFFFF  }
0xb4: {  	p0 =	sne.s32 s2, $0x0;
	s0 =	rddreg [dreg:$0x3]  }
0xb5: {  	s0 =	sadd.s32 @!p0 $0x100000, s0  }
0xb6: {  	[sflag:s0] =	ssyncadd.tile.s32 @!p0 $0x1;
	_ =	shalt  }
.Lfunc_end2:
_tile_overlayer_lowered:
.L_overlay_start_2:
0xb7: {  	(tag) =	ssettag $0x2  }
0xb8: {  	s0 =	rddreg [dreg:$0x0];
	s2 =	stileid.u32  }
0xb9: {  	s1 =	rddreg [dreg:$0x1];
	p0 =	sne.s32 s2, $0x0  }
0xba: {  	s3 =	rddreg [dreg:$0x2];
	[bflag:$0x3] =	sbarrier.arrive $0xFFFF;
	s2 =	simm.s32 @!p0 $0x1C03  }
0xbb: {  	[timem:s3], [sflag:s2] =	dma.local @!p0 [hbm:s0], s1  }
0xbc: {  	s0 =	simm.s32 @!p0 $0x3  }
0xbd: {  	_ =	swait.ge @!p0 [sflag:s0], s1  }
0xbe: {  	s1 =	ssub.s32 @!p0 $0x0, s1;
	[sflag:s0] =	ssyncset.done @!p0 $0x0  }
0xbf: {  	[sflag:s0] =	ssyncadd.s32 @!p0 s1  }
0xc0: {  	[bflag:$0x3] =	sbarrier.arrive $0xFFFF  }
0xc1: {  	_ =	shalt  }

// kernel: kernel.9.cloned.1.call-start
scs
__scs_entry_jumppad:
0x0: {  	(pc) =	sbr.rel $0x88, $3  }
0x1: {  	(tag) =	ssettag $0x0;
	lr =	simm.s32 $0x1  }
0x2: {  	[smem:$0x3F9B] =	sst lr;
	_ =	strace $0xD0000000  }
0x3: {  	_ = 	snop  }
0x4: {  	_ = 	snop  }
0x5: {  	_ = 	snop  }
0x6: {  	_ = 	snop  }
0x7: {  	_ = 	snop  }
__scs_overlays_trampoline_lowered:
0x8: {  	[smem:$0x3FAA] =	sst s0  }
0x9: {  	[smem:$0x3FAB] =	sst s1  }
0xa: {  	[smem:$0x3FAC] =	sst s2  }
0xb: {  	[smem:$0x3FAD] =	sst s3  }
0xc: {  	[smem:$0x3FAE] =	sst s4  }
0xd: {  	[smem:$0x3FAF] =	sst s5  }
0xe: {  	[smem:$0x3FB0] =	sst s6  }
0xf: {  	[smem:$0x3FB1] =	sst s7  }
0x10: {  	[smem:$0x3FB2] =	sst s8  }
0x11: {  	[smem:$0x3FB3] =	sst s9;
	s0 =	simm.s32 @!p0 $0x0  }
0x12: {  	s1 =	sld [smem:$0x3F99];
	s0 =	simm.s32 @p0 $0x1  }
0x13: {  	[smem:$0x3FB4] =	sst s0;
	s0 =	simm.s32 @!p1 $0x0  }
0x14: {  	s2 =	sld [smem:$0x3F98];
	s0 =	simm.s32 @p1 $0x1  }
0x15: {  	[smem:$0x3FB5] =	sst s0;
	s0 =	simm.s32 @!p2 $0x0  }
0x16: {  	s3 =	sld [smem:$0x3FDB];
	s0 =	simm.s32 @p2 $0x1  }
0x17: {  	s4 =	simm.s32 $0x1BF5;
	[smem:$0x3FB7] =	sst s0  }
0x18: {  	s0 =	sld [smem:$0x3F9A];
	_ =	swait.ge [sflag:s4], $0x0  }
0x19: {  	s7 =	sld [smem:$0x3F9B]  }
0x1a: {  	s8 =	sadd.s32 $0xFFFFE003, lr  }
0x1b: {  	s9 =	sadd.s32 $0xFFFFFEF7, lr;
	s5 =	simm.s32 $0xFFFFFFFF;
	p2 =	slt.u32 s8, $0xFFFFF086  }
0x1c: {  	p1 =	slt.u32 s9, $0xF7A;
	s5 =	simm.s32 @!p2 $0x0  }
0x1d: {  	s5 =	simm.s32 @p1 $0x1;
	p0 =	seq.s32 s7, s2  }
0x1e: {  	s7 =	smul.u32 @!p0 $0xF7A, s2;
	p2 =	seq.s32 @!p0 s5, $0x0  }
0x1f: {  	s9 =	smul.u32 $0xF7A, s1;
	s8 =	simm.s32 @!p0 $0x1BF5;
	p2 =	por !p2, p0  }
0x20: {  	[sflag:s8] =	ssyncset.s32 @!p0 $0xFFFFF086;
	s6 =	sadd.s32 @!p0 s3, s7;
	s7 =	simm.s32 @!p0 $0x108  }
0x21: {  	s3 =	sadd.s32 s3, s9;
	s6 =	sadd.s32 @!p0 $0x88, s6;
	s7 =	simm.s32 @p2 $0x1082  }
0x22: {  	[simem:s7], [sflag:s8] =	dma.local @!p0 [hbm:s6], $0xF7A  }
0x23: {  	s9 =	sor.u32 $0xD0000000, s2;
	s6 =	simm.s32 $0x108;
	_ =	swait.ge @!p0 [sflag:s8], $0x0  }
0x24: {  	s3 =	sadd.s32 $0x88, s3;
	s6 =	simm.s32 @!p1 $0x1082;
	[sflag:s4] =	ssyncset.s32 $0xFFFFF086  }
0x25: {  	[simem:s6], [sflag:s4] =	dma.local [hbm:s3], $0xF7A  }
0x26: {  	[smem:$0x3F9B] =	sst s1;
	(tag) =	ssettag s2;
	_ =	strace s9  }
0x27: {  	s1 =	sld [smem:$0x3FAB]  }
0x28: {  	s2 =	sld [smem:$0x3FAC]  }
0x29: {  	s4 =	sld [smem:$0x3FAE]  }
0x2a: {  	p0 =	seq.s32 s5, $0x0;
	s5 =	sld [smem:$0x3FAF]  }
0x2b: {  	s6 =	sld [smem:$0x3FB0]  }
0x2c: {  	s7 =	sld [smem:$0x3FB1]  }
0x2d: {  	s3 =	simm.s32 $0x108;
	s8 =	sld [smem:$0x3FB2]  }
0x2e: {  	s3 =	simm.s32 @!p0 $0x1082;
	s9 =	sld [smem:$0x3FB3]  }
0x2f: {  	lr =	sadd.s32 s0, s3;
	s0 =	sld [smem:$0x3FAA]  }
0x30: {  	s3 =	sld [smem:$0x3FAD]  }
0x31: {  	[smem:$0x3FB6] =	sst s10  }
0x32: {  	s10 =	sld [smem:$0x3FB4];
	_ =	sdelay $0x3  }
0x33: {  	p0 =	seq.s32 s10, $0x1;
	s10 =	sld [smem:$0x3FB6];
	_ =	sdelay $0x3  }
0x34: {  	[smem:$0x3FB6] =	sst s10  }
0x35: {  	s10 =	sld [smem:$0x3FB5];
	_ =	sdelay $0x3  }
0x36: {  	p1 =	seq.s32 s10, $0x1;
	s10 =	sld [smem:$0x3FB6];
	_ =	sdelay $0x3  }
0x37: {  	[smem:$0x3FB6] =	sst s10  }
0x38: {  	s10 =	sld [smem:$0x3FB7]  }
0x39: {  	_ = 	snop;
	(pc) =	sbr.ind lr, $3  }
0x3a: {  	_ = 	snop  }
0x3b: {  	_ = 	snop  }
0x3c: {  	p2 =	seq.s32 s10, $0x1;
	s10 =	sld [smem:$0x3FB6]  }
0x3d: {  	_ =	shalt  }
0x3e: {  	_ =	shalt  }
0x3f: {  	_ =	shalt  }
0x40: {  	_ =	shalt  }
0x41: {  	_ =	shalt  }
0x42: {  	_ =	shalt  }
0x43: {  	_ =	shalt  }
0x44: {  	_ =	shalt  }
0x45: {  	_ =	shalt  }
0x46: {  	_ =	shalt  }
0x47: {  	_ =	shalt  }
0x48: {  	_ =	shalt  }
0x49: {  	_ =	shalt  }
0x4a: {  	_ =	shalt  }
0x4b: {  	_ =	shalt  }
0x4c: {  	_ =	shalt  }
0x4d: {  	_ =	shalt  }
0x4e: {  	_ =	shalt  }
0x4f: {  	_ =	shalt  }
0x50: {  	_ =	shalt  }
0x51: {  	_ =	shalt  }
0x52: {  	_ =	shalt  }
0x53: {  	_ =	shalt  }
0x54: {  	_ =	shalt  }
0x55: {  	_ =	shalt  }
0x56: {  	_ =	shalt  }
0x57: {  	_ =	shalt  }
0x58: {  	_ =	shalt  }
0x59: {  	_ =	shalt  }
0x5a: {  	_ =	shalt  }
0x5b: {  	_ =	shalt  }
0x5c: {  	_ =	shalt  }
0x5d: {  	_ =	shalt  }
0x5e: {  	_ =	shalt  }
0x5f: {  	_ =	shalt  }
0x60: {  	_ =	shalt  }
0x61: {  	_ =	shalt  }
0x62: {  	_ =	shalt  }
0x63: {  	_ =	shalt  }
0x64: {  	_ =	shalt  }
0x65: {  	_ =	shalt  }
0x66: {  	_ =	shalt  }
0x67: {  	_ =	shalt  }
0x68: {  	_ =	shalt  }
0x69: {  	_ =	shalt  }
0x6a: {  	_ =	shalt  }
0x6b: {  	_ =	shalt  }
0x6c: {  	_ =	shalt  }
0x6d: {  	_ =	shalt  }
0x6e: {  	_ =	shalt  }
0x6f: {  	_ =	shalt  }
0x70: {  	_ =	shalt  }
0x71: {  	_ =	shalt  }
0x72: {  	_ =	shalt  }
0x73: {  	_ =	shalt  }
0x74: {  	_ =	shalt  }
0x75: {  	_ =	shalt  }
0x76: {  	_ =	shalt  }
0x77: {  	_ =	shalt  }
0x78: {  	_ =	shalt  }
0x79: {  	_ =	shalt  }
0x7a: {  	_ =	shalt  }
0x7b: {  	_ =	shalt  }
0x7c: {  	_ =	shalt  }
0x7d: {  	_ =	shalt  }
0x7e: {  	_ =	shalt  }
0x7f: {  	_ =	shalt  }
0x80: {  	_ =	shalt  }
0x81: {  	_ =	shalt  }
0x82: {  	_ =	shalt  }
0x83: {  	_ =	shalt  }
0x84: {  	_ =	shalt  }
0x85: {  	_ =	shalt  }
0x86: {  	_ =	shalt  }
0x87: {  	_ =	shalt  }
.Lfunc_end0:
.L_simem_size_0:
called_computation_lowered:
.L_overlay_start_0:
0x88: {  	s2 =	sld [smem:$0x3FD9]  }
0x89: {  	s3 =	sld [smem:$0x3FFE];
	_ =	sdelay $0x1  }
0x8a: {  	s1 =	srdreg.scid  }
0x8b: {  	s0 =	sand.u32 $0x1, s1  }
0x8c: {  	s17 =	sshll.u32 s0, $0xA;
	s2 =	sadd.s32 s3, s2  }
0x8d: {  	s2 =	sadd.s32 s2, s17  }
0x8e: {  	[smem:$0x3FC2] =	sst s2  }
0x8f: {  	_ = 	snop  }
0x90: {  	s2 =	sld [smem:$0x3FD0];
	(tm) =	ssettm $0x1  }
0x91: {  	s18 =	sld [smem:$0x3FFB];
	_ =	sdelay $0x3  }
0x92: {  	_ =	strace s18  }
0x93: {  	s3 =	sld [smem:$0x3FFC];
	_ =	sdelay $0x3  }
0x94: {  	_ =	strace s3  }
0x95: {  	s3 =	sld [smem:$0x3FFD];
	_ =	sdelay $0x3  }
0x96: {  	_ =	strace s3  }
0x97: {  	_ =	strace $0x8FFFFFFF  }
0x98: {  	s19 =	sld [smem:$0x3FDB];
	_ =	sdelay $0x1  }
0x99: {  	s4 =	simm.s32 $_scs_section_size  }
0x9a: {  	s5 =	simm.s32 $_size__tile_overlayer_lowered;
	s6 =	simm.s32 $_tile_overlayer_lowered  }
0x9b: {  	s22 =	simm.s32 $0x1BFF;
	s21 =	sshll.u32 s6, $0x1;
	s3 =	sadd.s32 s4, s19  }
0x9c: {  	s7 =	simm.s32 $0x0;
	s20 =	sshll.u32 s5, $0x1;
	s5 =	sadd.s32 s21, s3  }
0x9d: {  	[timem:s7], [sflag:s22] =	dma.local [hbm:s5], s20  }
0x9e: {  	_ =	swait.ge [sflag:s22], s20  }
0x9f: {  	s4 =	ssub.s32 $0x0, s20;
	[sflag:s22] =	ssyncset.done $0x0  }
0xa0: {  	[sflag:s22] =	ssyncadd.s32 s4;
	_ =	sdelay $0x1  }
0xa1: {  	s23 =	simm.s32 $0x1B8B  }
0xa2: {  	_ =	swait.ge [sflag:s23], $0x1  }
0xa3: {  	[sflag:s23] =	ssyncset.done $0x0  }
0xa4: {  	s25 =	simm.s32 $0x1B8E;
	s24 =	sld [smem:$0x3FFE];
	[sflag:s23] =	ssyncadd.s32 $0xFFFFFFFF  }
0xa5: {  	s26 =	simm.s32 $execute0_lowered;
	[smem:$0x3FD2] =	sst s25  }
0xa6: {  	s5 =	sshll.u32 s26, $0x1;
	_ =	strace $0x80000046;
	[dreg:$0x1] =	wrdreg $0xFFFFFFFF  }
0xa7: {  	s28 =	simm.s32 $_size_execute0_lowered;
	s3 =	sadd.s32 s3, s5;
	[dreg:$0x0] =	wrdreg $0x0  }
0xa8: {  	s5 =	sshll.u32 s28, $0x1;
	[dreg:$0x2] =	wrdreg s3  }
0xa9: {  	[dreg:$0x3] =	wrdreg s5  }
0xaa: {  	[dreg:$0x4] =	wrdreg $0xC0  }
0xab: {  	_ =	task [dreg:s7], $0x5FFFF  }
0xac: {  	[dreg:$0x1] =	wrdreg $0xFFFFFFFF  }
0xad: {  	[dreg:$0x0] =	wrdreg $0x60  }
0xae: {  	[dreg:$0x2] =	wrdreg s2  }
0xaf: {  	[dreg:$0x3] =	wrdreg s24  }
0xb0: {  	[dreg:$0x4] =	wrdreg $0x0  }
0xb1: {  	[dreg:$0x5] =	wrdreg $0x9  }
0xb2: {  	_ =	task.clear_ibuf [dreg:s7], $0x6FFFF;
	_ =	strace $0x90000046  }
0xb3: {  	s29 =	simm.s32 $0x9;
	_ =	strace $0x80000048  }
0xb4: {  	_ =	swait.ge [sflag:s29], $0x1  }
0xb5: {  	[sflag:s29] =	ssyncadd.s32 $0xFFFFFFFF  }
0xb6: {  	_ =	strace $0x90000048  }
0xb7: {  	_ =	sfence  }
0xb8: {  	s30 =	sld [smem:$0x0];
	_ =	sdelay $0x2  }
0xb9: {  	s31 =	sshll.u32 s1, $0xD;
	s1 =	sshrl.u32 s1, $0x2  }
0xba: {  	s3 =	sand.u32 $0x4000, s31;
	s1 =	sadd.s32 s1, s30  }
0xbb: {  	s0 =	sor.u32 s3, s0;
	s1 =	sshll.u32 s1, $0x11  }
0xbc: {  	s0 =	sor.u32 s1, s0  }
0xbd: {  	s0 =	sadd.s32 $0x8F2B, s0  }
0xbe: {  	[sflag:s0] =	ssyncadd.remote.s32 $0x1  }
0xbf: {  	_ =	sfence.sel $0xFFFF  }
0xc0: {  	[dreg:$0x0] =	wrdreg $0xFFFFFFFF;
	(pc) =	sbr.abs _section_cstart, $3  }
0xc1: {  	[dreg:$0x1] =	wrdreg $0xFFFFFFFF  }
0xc2: {  	_ =	task.clear_ibuf [dreg:s7], $0x2FFFF;
	_ =	strace $0x9FFFFFFF  }
0xc3: {  	(tm) =	ssettm $0x7FFFFFFF  }
tec
execute0_lowered:
.L_overlay_start_1:
0x0: {  	(tag) =	ssettag $0x1  }
0x1: {  	s6 =	rddreg [dreg:$0x0]  }
0x2: {  	s4 =	rddreg [dreg:$0x1]  }
0x3: {  	s2 =	rddreg [dreg:$0x2]  }
0x4: {  	s0 =	rddreg [dreg:$0x3]  }
0x5: {  	s5 =	srdreg.scid;
	s1 =	stileid.u32;
	s3 =	simm.s32 $0x0  }
0x6: {  	s11 =	simm.s32 $0x80;
	s12 =	simm.s32 $0x2A80;
	s15 =	simm.s32 $0x20  }
0x7: {  	s16 =	simm.s32 $0x10;
	s17 =	simm.s32 $0x0;
	s7 =	smul.u32 $0x500, s1  }
0x8: {  	s5 =	sand.u32 $0x1, s5;
	[smem:$0x7FF] =	sst s3;
	s10 =	smul.u32 $0xA00, s1  }
0x9: {  	s13 =	sshll.u32 s1, $0x6;
	s8 =	sshll.u32 s5, $0x7;
	_ =	strace $0x80000047  }
0xa: {  	s29 =	ssub.s32 $0x2, s5;
	s5 =	sshll.u32 s5, $0x4;
	s13 =	sor.u32 $0x1C01, s13  }
0xb: {  	s7 =	sor.u32 s8, s7;
	s9 =	sshrl.u32 s29, $0x1;
	s5 =	sor.u32 s1, s5  }
0xc: {  	s31 =	sshrl.u32 s10, $0x2;
	s10 =	simm.s32 $0x1;
	s7 =	sshrl.u32 s7, $0x3  }
0xd: {  	s8 =	ssub.s32 s29, s9;
	s30 =	smul.u32 $0x500, s5;
	p0 =	seq.s32 s5, $0x1F  }
0xe: {  	s5 =	sadd.s32 s31, s2;
	s9 =	simm.s32 $0x2B00;
	s7 =	sadd.s32 s7, s4  }
0xf: {  	s4 =	simm.s32 $0x14;
	s8 =	smax.u32 s8, $0x1;
	s14 =	sshrl.u32 s5, $0x3  }
0x10: {  	v0 =	vimm.f32 $0.0e+00;
	v1 =	vimm.f32 $1.000000000e+00;
	s4 =	simm.s32 @!p0 $0x50;
	s6 =	sadd.s32 s6, s30;
	s7 =	sadd.s32 $0xC000, s7  }
.LBB2_1:
0x11: {  	[tilespmem:$0x2B00] =	vst v0  }
0x12: {  	[tilespmem:$0x2B10] =	vst v0  }
0x13: {  	[tilespmem:$0x2B20] =	vst v0  }
0x14: {  	[tilespmem:$0x2B30] =	vst v0  }
0x15: {  	[tilespmem:$0x2B40] =	vst v0  }
0x16: {  	[tilespmem:$0x2B50] =	vst v0  }
0x17: {  	[tilespmem:$0x2B60] =	vst v0  }
0x18: {  	[tilespmem:$0x2B70] =	vst v0  }
0x19: {  	[tilespmem:$0x2B80] =	vst v0  }
0x1a: {  	[tilespmem:$0x2B90] =	vst v0  }
0x1b: {  	[tilespmem:$0x2BA0] =	vst v0  }
0x1c: {  	[tilespmem:$0x2BB0] =	vst v0  }
0x1d: {  	[tilespmem:$0x2BC0] =	vst v0  }
0x1e: {  	[tilespmem:$0x2BD0] =	vst v0  }
0x1f: {  	[tilespmem:$0x2BE0] =	vst v0  }
0x20: {  	[tilespmem:$0x2BF0] =	vst v0  }
0x21: {  	[tilespmem:$0x2C00] =	vst v0  }
0x22: {  	[tilespmem:$0x2C10] =	vst v0  }
0x23: {  	[tilespmem:$0x2C20] =	vst v0  }
0x24: {  	[tilespmem:$0x2C30] =	vst v0  }
0x25: {  	[tilespmem:$0x2C40] =	vst v0  }
0x26: {  	[tilespmem:$0x2C50] =	vst v0  }
0x27: {  	[tilespmem:$0x2C60] =	vst v0  }
0x28: {  	[tilespmem:$0x2C70] =	vst v0  }
0x29: {  	[tilespmem:$0x2C80] =	vst v0  }
0x2a: {  	[tilespmem:$0x2C90] =	vst v0  }
0x2b: {  	[tilespmem:$0x2CA0] =	vst v0  }
0x2c: {  	[tilespmem:$0x2CB0] =	vst v0  }
0x2d: {  	[tilespmem:$0x2CC0] =	vst v0  }
0x2e: {  	[tilespmem:$0x2CD0] =	vst v0  }
0x2f: {  	[tilespmem:$0x2CE0] =	vst v0  }
0x30: {  	[tilespmem:$0x2CF0] =	vst v0  }
0x31: {  	[tilespmem:$0x2D00] =	vst v0  }
0x32: {  	[tilespmem:$0x2D10] =	vst v0  }
0x33: {  	[tilespmem:$0x2D20] =	vst v0  }
0x34: {  	[tilespmem:$0x2D30] =	vst v0  }
0x35: {  	[tilespmem:$0x2D40] =	vst v0  }
0x36: {  	[tilespmem:$0x2D50] =	vst v0  }
0x37: {  	[tilespmem:$0x2D60] =	vst v0  }
0x38: {  	[tilespmem:$0x2D70] =	vst v0  }
0x39: {  	[tilespmem:$0x2A80] =	vst v1  }
0x3a: {  	[tilespmem:$0x2A90] =	vst v1  }
0x3b: {  	[tilespmem:$0x2AA0] =	vst v1  }
0x3c: {  	[tilespmem:$0x2AB0] =	vst v1  }
0x3d: {  	[tilespmem:$0x2AC0] =	vst v1  }
0x3e: {  	[tilespmem:$0x2AD0] =	vst v1  }
0x3f: {  	[tilespmem:$0x2AE0] =	vst v1  }
0x40: {  	[tilespmem:$0x2AF0] =	vst v1  }
0x41: {  	[spmem:s5] =	stream.linear.scatter [tilespmem:s9], [sflag:$0x1], $0x280, $0x38;
	[tilespmem:$0x2D80] =	vst v63  }
0x42: {  	_ =	swait.ge [sflag:s10], $0x280  }
0x43: {  	[sflag:s10] =	ssyncset.done $0x0  }
0x44: {  	s18 =	simm.s32 $0x280;
	[sflag:s10] =	ssyncadd.s32 $0xFFFFFD80  }
0x45: {  	[tilespmem:s18], [sflag:$0x1] =	stream.linear.gather [hbm4b:s6+s3], $0x2800, $0x38;
	[tilespmem:$0x2D80] =	vst v63  }
0x46: {  	_ =	swait.ge [sflag:s10], $0x2800  }
0x47: {  	p0 =	sne.s32 s4, $0x1;
	[sflag:s10] =	ssyncset.done $0x0  }
.Ltmp0:
0x48: {  	[sflag:s10] =	ssyncadd.s32 $0xFFFFD800;
	(pc) =	sbr.rel @!p0 .LBB2_3-.Ltmp0, $4  }
0x49: {  	[bflag:$0x0] =	sbarrier.arrive $0xFFFF  }
0x4a: {  	[spmem:s2] =	stream.indirect.scatter.add.f32 [tilespmem:s12], [sflag:$0x1], $0x1, s18, s11, $0xb8;
	[tilespmem:$0x2D80] =	vst v63  }
0x4b: {  	_ =	swait.ge [sflag:s10], $0x80  }
0x4c: {  	s19 =	sadd.s32 $0xFFFFFFFF, s4;
	[sflag:s10] =	ssyncset.done $0x0  }
.LBB2_2:
0x4d: {  	p0 =	sne.s32 s19, $0x1;
	[sflag:s10] =	ssyncadd.s32 $0xFFFFFF80;
	s18 =	sadd.s32 $0x80, s18  }
.Ltmp1:
0x4e: {  	s19 =	sadd.s32 $0xFFFFFFFF, s19;
	(pc) =	sbr.rel @p0 .LBB2_2-.Ltmp1, $4  }
0x4f: {  	_ = 	snop  }
0x50: {  	[spmem:s2] =	stream.indirect.scatter.add.f32 [tilespmem:s12], [sflag:$0x1], $0x1, s18, s11, $0xb8;
	[tilespmem:$0x2D80] =	vst v63  }
0x51: {  	_ =	swait.ge [sflag:s10], $0x80  }
0x52: {  	[sflag:s10] =	ssyncset.done $0x0  }
.LBB2_3:
0x53: {  	s17 =	sadd.s32 $0x1, s17  }
0x54: {  	[sflag:s10] =	ssyncadd.s32 $0xFFFFFF80;
	p0 =	sne.s32 s17, s8  }
.Ltmp2:
0x55: {  	[bflag:$0x0] =	sbarrier.arrive $0xFFFF;
	(pc) =	sbr.rel @p0 .LBB2_1-.Ltmp2, $4  }
0x56: {  	[hbm:s7@s15], [sflag:s13] =	dma.strided [spmem:s14@s16], $0x50, s10, $0x10   }
0x57: {  	_ =	swait.ge [sflag:s10], $0x50  }
0x58: {  	[sflag:s10] =	ssyncset.done $0x0  }
0x59: {  	[sflag:s10] =	ssyncadd.s32 $0xFFFFFFB0  }
0x5a: {  	_ =	sfence.sel $0x180000  }
0x5b: {  	[bflag:$0x0] =	sbarrier.arrive $0xFFFF  }
0x5c: {  	p0 =	sne.s32 s1, $0x0;
	_ =	strace $0x90000047  }
0x5d: {  	s0 =	sadd.s32 @!p0 $0x100000, s0;
	[bflag:$0x2] =	sbarrier.arrive $0xFFFF  }
0x5e: {  	[sflag:s0] =	ssyncadd.tile.s32 @!p0 $0x1;
	_ =	shalt  }
.Lfunc_end2:
_tile_overlayer_lowered:
.L_overlay_start_2:
0x5f: {  	(tag) =	ssettag $0x2  }
0x60: {  	s0 =	rddreg [dreg:$0x0];
	s2 =	stileid.u32  }
0x61: {  	s1 =	rddreg [dreg:$0x1];
	p0 =	sne.s32 s2, $0x0  }
0x62: {  	s3 =	rddreg [dreg:$0x2];
	[bflag:$0x3] =	sbarrier.arrive $0xFFFF;
	s2 =	simm.s32 @!p0 $0x1C01  }
0x63: {  	[timem:s3], [sflag:s2] =	dma.local @!p0 [hbm:s0], s1  }
0x64: {  	s0 =	simm.s32 @!p0 $0x1  }
0x65: {  	_ =	swait.ge @!p0 [sflag:s0], s1  }
0x66: {  	s1 =	ssub.s32 @!p0 $0x0, s1;
	[sflag:s0] =	ssyncset.done @!p0 $0x0  }
0x67: {  	[sflag:s0] =	ssyncadd.s32 @!p0 s1  }
0x68: {  	[bflag:$0x3] =	sbarrier.arrive $0xFFFF  }
0x69: {  	_ =	shalt  }

</sc_bundles>
